<compile_context>
chip_gen: v7x
topology: tpu7x:2x2x1
jax: 0.10.2.dev20260603
libtpu: 0.0.44.dev20260713+nightly
codegen_flags: <defaults>
</compile_context>

<pallas_src>
import functools

import jax
import jax.numpy as jnp
from jax.experimental import pallas as pl
from jax.experimental.pallas import tpu as pltpu
from jax.experimental.pallas import tpu_sc as plsc

D = 2048; H = 16; QL = 1536; KVL = 512; DN = 128; DR = 64; DV = 128
E = 8; K = 2; MI = 1024; NSH = 2
BT = 256
BK = 512
BS = 256
_EPS = 1e-6
_NEG = -1e30
_INTERPRET = False

_NC, _NS = 2, 16
_NW = _NC * _NS


def _rms(x, w):
    return x * jax.lax.rsqrt(jnp.mean(x * x, axis=-1, keepdims=True) + _EPS) * w


def _bf(x):
    return x.astype(jnp.bfloat16)


def _dot(a, b):
    return jax.lax.dot_general(
        _bf(a), _bf(b), (((a.ndim - 1,), (0,)), ((), ())),
        preferred_element_type=jnp.float32)


def _dotg(a, b):
    return jax.lax.dot_general(a, b, (((a.ndim - 1,), (0,)), ((), ())),
                               preferred_element_type=jnp.float32)



def _lat_kernel(x_ref, rn1_ref, qnw_ref, kvnw_ref, frep_ref, wlat_ref,
                qn_ref, kvn_ref, kr_ref):
    xn = _rms(x_ref[...], rn1_ref[...])
    lat = _dot(xn, wlat_ref[...])
    qn_ref[...] = _bf(_rms(lat[:, :QL], qnw_ref[...]))
    kvn_ref[...] = _bf(_rms(lat[:, QL:QL + KVL], kvnw_ref[...]))
    kr_ref[...] = _bf(lat[:, QL + KVL:] * frep_ref[...])



def _up_kernel(qn_ref, kvn_ref, kr_ref, mult_ref, wq_ref, wkv_ref,
               q_ref, k_ref, v_ref):
    q = _dotg(qn_ref[...], wq_ref[0])
    q_ref[0] = _bf(q * mult_ref[...])
    kv = _dotg(kvn_ref[...], wkv_ref[0])
    k_ref[0] = jnp.concatenate([_bf(kv[:, :DN]), kr_ref[...]], axis=1)
    v_ref[0] = _bf(kv[:, DN:])



BQ = 512


def _att_kernel(q_ref, k_ref, v_ref, o_ref):
    qb = pl.program_id(1)
    q = q_ref[0]
    scale = 1.0 / (DN + DR) ** 0.5
    rows = qb * BQ + jax.lax.broadcasted_iota(jnp.int32, (BQ, BK), 0)

    def body(kb, carry):
        m, l, acc = carry
        k = k_ref[0, pl.ds(kb * BK, BK), :]
        v = v_ref[0, pl.ds(kb * BK, BK), :]
        s = jax.lax.dot_general(q, k, (((1,), (1,)), ((), ())),
                                preferred_element_type=jnp.float32) * scale
        cols = kb * BK + jax.lax.broadcasted_iota(jnp.int32, (BQ, BK), 1)
        s = jnp.where(rows >= cols, s, _NEG)
        mn = jnp.maximum(m, jnp.max(s, axis=-1, keepdims=True))
        p = jnp.exp(s - mn)
        alpha = jnp.exp(m - mn)
        l2 = l * alpha + jnp.sum(p, axis=-1, keepdims=True)
        acc2 = acc * alpha + jax.lax.dot_general(
            _bf(p), v, (((1,), (0,)), ((), ())),
            preferred_element_type=jnp.float32)
        return mn, l2, acc2

    m0 = jnp.full((BQ, 1), _NEG, dtype=jnp.float32)
    l0 = jnp.zeros((BQ, 1), dtype=jnp.float32)
    a0 = jnp.zeros((BQ, DV), dtype=jnp.float32)
    nkb = (qb * BQ + BQ + BK - 1) // BK
    m, l, acc = jax.lax.fori_loop(0, nkb, body, (m0, l0, a0))
    o_ref[...] = _bf(acc / l)



def _cproj_kernel(y_ref, x_ref, rn2_ref, wc_ref, gw_ref, x1_ref, x2_ref,
                  comb_ref):
    x1 = x_ref[...] + _dotg(y_ref[...], wc_ref[...])
    x1_ref[...] = x1
    xg = _rms(x1, rn2_ref[...])
    x2_ref[...] = _bf(xg)

    s = jax.lax.dot_general(xg, gw_ref[...], (((1,), (0,)), ((), ())),
                            preferred_element_type=jnp.float32)
    s = s - jnp.max(s, axis=-1, keepdims=True)
    p = jnp.exp(s)
    p = p / jnp.sum(p, axis=-1, keepdims=True)
    idx = jax.lax.broadcasted_iota(jnp.int32, p.shape, 1)
    m1 = jnp.max(p, axis=-1, keepdims=True)
    i1 = jnp.min(jnp.where(p == m1, idx, E), axis=-1, keepdims=True)
    p2 = jnp.where(idx == i1, -1.0, p)
    m2 = jnp.max(p2, axis=-1, keepdims=True)
    i2 = jnp.min(jnp.where(p2 == m2, idx, E), axis=-1, keepdims=True)
    comb_ref[...] = jnp.where((idx == i1) | (idx == i2), p, 0.0)



def _shared_kernel(x1_ref, x2_ref, sw1_ref, sw2_ref, sw3_ref, out_ref):
    x2 = x2_ref[...]
    h1 = _dotg(x2, sw1_ref[...])
    h3 = _dotg(x2, sw3_ref[...])
    hh = _bf(jax.nn.silu(h1) * h3)
    out_ref[...] = x1_ref[...] + _dotg(hh, sw2_ref[...])



def _meta_kernel(comb_ref, tril_ref, ct_ref, combt_ref, eb_ref, lo_ref,
                 p1_ref, p2_ref):
    T = comb_ref.shape[0]
    nblk = eb_ref.shape[1]
    comb = comb_ref[...]
    combT = jnp.transpose(comb)
    combt_ref[...] = combT
    indT = _bf(combT > 0)
    ct = jax.lax.dot_general(indT, tril_ref[...], (((1,), (0,)), ((), ())),
                             preferred_element_type=jnp.float32)
    ct_ref[...] = ct
    cnt = ct[:, T - 1:T].astype(jnp.int32)
    pc = ((cnt + (BS - 1)) // BS) * BS
    pcT = jnp.transpose(pc.astype(jnp.float32))
    ei = jax.lax.broadcasted_iota(jnp.int32, (E, E), 0)
    ej = jax.lax.broadcasted_iota(jnp.int32, (E, E), 1)
    mask2 = (ej < ei).astype(jnp.float32)
    po_f = jnp.sum(jnp.broadcast_to(pcT, (E, E)) * mask2, axis=1,
                   keepdims=True)
    po = po_f.astype(jnp.int32)
    poend = po + pc
    bstart = jax.lax.broadcasted_iota(jnp.int32, (1, nblk), 1) * BS
    ebv = jnp.sum((jnp.broadcast_to(poend, (E, nblk)) <=
                   jnp.broadcast_to(bstart, (E, nblk))).astype(jnp.int32),
                  axis=0, keepdims=True)
    ebv = jnp.minimum(ebv, E - 1)
    onehot = (jnp.broadcast_to(ebv, (E, nblk)) ==
              jax.lax.broadcasted_iota(jnp.int32, (E, nblk), 0))
    pob = jnp.sum(jnp.where(onehot, jnp.broadcast_to(po, (E, nblk)), 0),
                  axis=0, keepdims=True)
    eb_ref[...] = ebv
    lo_ref[...] = bstart - pob
    posE = po_f + ct - 1.0
    sel = combT > 0
    p1_ref[...] = jnp.min(jnp.where(sel, posE, 3.0e7), axis=0,
                          keepdims=True).astype(jnp.int32)
    p2_ref[...] = jnp.max(jnp.where(sel, posE, -1.0), axis=0,
                          keepdims=True).astype(jnp.int32)



def _gexpert_kernel(eb_sref, lo_sref, ct_ref, combt_ref, x2_ref,
                    ew1_ref, ew2_ref, ew3_ref, oc_ref):
    del eb_sref
    T = ct_ref.shape[2]
    b = pl.program_id(0)
    lo_b = lo_sref[b]
    cc = ct_ref[0]
    cw = combt_ref[0]
    li = lo_b + jax.lax.broadcasted_iota(jnp.int32, (BS, 1), 0)
    lif = li.astype(jnp.float32)
    ccb = jnp.broadcast_to(cc, (BS, T))
    cwb = jnp.broadcast_to(cw, (BS, T))
    sel = (ccb == lif + 1.0) & (cwb > 0)
    onehot = _bf(sel)
    xs = _bf(jax.lax.dot_general(onehot, x2_ref[...],
                                 (((1,), (0,)), ((), ())),
                                 preferred_element_type=jnp.float32))
    wgt = jnp.sum(jnp.where(sel, cwb, 0.0), axis=1, keepdims=True)
    h1 = _dotg(xs, ew1_ref[0])
    h3 = _dotg(xs, ew3_ref[0])
    hh = _bf(jax.nn.silu(h1) * h3)
    oc_ref[...] = _dotg(hh, ew2_ref[0]) * wgt



def _final_kernel(base_ref, g1_ref, g2_ref, out_ref):
    out_ref[...] = (base_ref[...] + g1_ref[...].astype(jnp.float32)
                    + g2_ref[...].astype(jnp.float32))



def _sc_gather_rows(table_f32, idx, rows_per_w, ch):
    n = table_f32.shape[0]
    n_out = idx.shape[0]
    nch = rows_per_w // ch
    mesh = plsc.VectorSubcoreMesh(core_axis_name="c", subcore_axis_name="s")

    @functools.partial(
        pl.kernel,
        out_type=jax.ShapeDtypeStruct((n_out, D), jnp.float32),
        mesh=mesh,
        scratch_types=[
            pltpu.VMEM((rows_per_w,), jnp.int32),
            pltpu.VMEM((ch, D), jnp.float32),
            pltpu.VMEM((ch, D), jnp.float32),
            pltpu.SemaphoreType.DMA,
            pltpu.SemaphoreType.DMA,
        ],
    )
    def k(table_hbm, idx_hbm, out_hbm, idx_v, buf0, buf1, sem0, sem1):
        wid = jax.lax.axis_index("s") * _NC + jax.lax.axis_index("c")
        base = wid * rows_per_w
        pltpu.sync_copy(idx_hbm.at[pl.ds(base, rows_per_w)], idx_v)
        bufs = (buf0, buf1)
        sems = (sem0, sem1)
        cps = [None] * nch
        cps[0] = pltpu.async_copy(table_hbm.at[idx_v.at[pl.ds(0, ch)]],
                                  bufs[0], sems[0])
        for c in range(nch):
            if c + 1 < nch:
                cps[c + 1] = pltpu.async_copy(
                    table_hbm.at[idx_v.at[pl.ds((c + 1) * ch, ch)]],
                    bufs[(c + 1) % 2], sems[(c + 1) % 2])
            cps[c].wait()
            pltpu.sync_copy(bufs[c % 2], out_hbm.at[pl.ds(base + c * ch, ch)])

    return k(table_f32, idx)



def kernel(x, freqs_cis, W_lat, qn_w, W_qup, kvn_w, W_kvup, W_cproj,
           rn1_w, rn2_w, sw1, sw2, sw3, gate_w, ew1, ew2, ew3):
    B, T, _ = x.shape
    NTB = T // BT
    NBLK = K * T // BS + E
    NPAD = NBLK * BS
    x2d = x.reshape(T, D)

    f_rep = jnp.repeat(freqs_cis, 2, axis=-1)
    mult = jnp.concatenate([jnp.ones((T, DN), jnp.float32), f_rep], axis=1)
    tril = _bf(jnp.arange(T)[:, None] <= jnp.arange(T)[None, :])
    rn1 = rn1_w.reshape(1, D); rn2 = rn2_w.reshape(1, D)
    qnw = qn_w.reshape(1, QL); kvnw = kvn_w.reshape(1, KVL)
    wlat = _bf(W_lat)
    wq = _bf(W_qup.reshape(QL, H, DN + DR).transpose(1, 0, 2))
    wkv = _bf(W_kvup.reshape(KVL, H, DN + DV).transpose(1, 0, 2))
    wc = _bf(W_cproj)
    sw1b, sw2b, sw3b = _bf(sw1), _bf(sw2), _bf(sw3)
    ew1b, ew2b, ew3b = _bf(ew1), _bf(ew2), _bf(ew3)

    def full(*shape):
        return pl.BlockSpec(shape, lambda *a: (0,) * len(shape))

    qn, kvn, kr = pl.pallas_call(
        _lat_kernel,
        grid=(NTB,),
        in_specs=[
            pl.BlockSpec((BT, D), lambda i: (i, 0)),
            full(1, D), full(1, QL), full(1, KVL),
            pl.BlockSpec((BT, DR), lambda i: (i, 0)),
            full(D, QL + KVL + DR),
        ],
        out_specs=[
            pl.BlockSpec((BT, QL), lambda i: (i, 0)),
            pl.BlockSpec((BT, KVL), lambda i: (i, 0)),
            pl.BlockSpec((BT, DR), lambda i: (i, 0)),
        ],
        out_shape=[
            jax.ShapeDtypeStruct((T, QL), jnp.bfloat16),
            jax.ShapeDtypeStruct((T, KVL), jnp.bfloat16),
            jax.ShapeDtypeStruct((T, DR), jnp.bfloat16),
        ],
        interpret=_INTERPRET,
    )(x2d, rn1, qnw, kvnw, f_rep, wlat)

    q, k, v = pl.pallas_call(
        _up_kernel,
        grid=(H, NTB),
        in_specs=[
            pl.BlockSpec((BT, QL), lambda h, i: (i, 0)),
            pl.BlockSpec((BT, KVL), lambda h, i: (i, 0)),
            pl.BlockSpec((BT, DR), lambda h, i: (i, 0)),
            pl.BlockSpec((BT, DN + DR), lambda h, i: (i, 0)),
            pl.BlockSpec((1, QL, DN + DR), lambda h, i: (h, 0, 0)),
            pl.BlockSpec((1, KVL, DN + DV), lambda h, i: (h, 0, 0)),
        ],
        out_specs=[
            pl.BlockSpec((1, BT, DN + DR), lambda h, i: (h, i, 0)),
            pl.BlockSpec((1, BT, DN + DR), lambda h, i: (h, i, 0)),
            pl.BlockSpec((1, BT, DV), lambda h, i: (h, i, 0)),
        ],
        out_shape=[
            jax.ShapeDtypeStruct((H, T, DN + DR), jnp.bfloat16),
            jax.ShapeDtypeStruct((H, T, DN + DR), jnp.bfloat16),
            jax.ShapeDtypeStruct((H, T, DV), jnp.bfloat16),
        ],
        interpret=_INTERPRET,
    )(qn, kvn, kr, mult, wq, wkv)

    y = pl.pallas_call(
        _att_kernel,
        grid=(H, T // BQ),
        in_specs=[
            pl.BlockSpec((1, BQ, DN + DR), lambda h, i: (h, i, 0)),
            pl.BlockSpec((1, T, DN + DR), lambda h, i: (h, 0, 0)),
            pl.BlockSpec((1, T, DV), lambda h, i: (h, 0, 0)),
        ],
        out_specs=pl.BlockSpec((BQ, DV), lambda h, i: (i, h)),
        out_shape=jax.ShapeDtypeStruct((T, H * DV), jnp.bfloat16),
        interpret=_INTERPRET,
    )(q, k, v)

    x1, x2, comb = pl.pallas_call(
        _cproj_kernel,
        grid=(NTB,),
        in_specs=[
            pl.BlockSpec((BT, H * DV), lambda i: (i, 0)),
            pl.BlockSpec((BT, D), lambda i: (i, 0)),
            full(1, D), full(D, D), full(D, E),
        ],
        out_specs=[
            pl.BlockSpec((BT, D), lambda i: (i, 0)),
            pl.BlockSpec((BT, D), lambda i: (i, 0)),
            pl.BlockSpec((BT, E), lambda i: (i, 0)),
        ],
        out_shape=[
            jax.ShapeDtypeStruct((T, D), jnp.float32),
            jax.ShapeDtypeStruct((T, D), jnp.bfloat16),
            jax.ShapeDtypeStruct((T, E), jnp.float32),
        ],
        interpret=_INTERPRET,
    )(y, x2d, rn2, wc, gate_w)

    ct, combt, eb2, lo2, p1, p2 = pl.pallas_call(
        _meta_kernel,
        grid=(1,),
        in_specs=[full(T, E), full(T, T)],
        out_specs=[
            full(E, T), full(E, T), full(1, NBLK), full(1, NBLK),
            full(1, T), full(1, T),
        ],
        out_shape=[
            jax.ShapeDtypeStruct((E, T), jnp.float32),
            jax.ShapeDtypeStruct((E, T), jnp.float32),
            jax.ShapeDtypeStruct((1, NBLK), jnp.int32),
            jax.ShapeDtypeStruct((1, NBLK), jnp.int32),
            jax.ShapeDtypeStruct((1, T), jnp.int32),
            jax.ShapeDtypeStruct((1, T), jnp.int32),
        ],
        interpret=_INTERPRET,
    )(comb, tril)
    eb = eb2.reshape(NBLK)
    lo = lo2.reshape(NBLK)

    base = pl.pallas_call(
        _shared_kernel,
        grid=(NTB,),
        in_specs=[
            pl.BlockSpec((BT, D), lambda i: (i, 0)),
            pl.BlockSpec((BT, D), lambda i: (i, 0)),
            full(D, MI * NSH), full(MI * NSH, D), full(D, MI * NSH),
        ],
        out_specs=pl.BlockSpec((BT, D), lambda i: (i, 0)),
        out_shape=jax.ShapeDtypeStruct((T, D), jnp.float32),
        interpret=_INTERPRET,
    )(x1, x2, sw1b, sw2b, sw3b)

    oc = pl.pallas_call(
        _gexpert_kernel,
        grid_spec=pltpu.PrefetchScalarGridSpec(
            num_scalar_prefetch=2,
            grid=(NBLK,),
            in_specs=[
                pl.BlockSpec((1, 1, T), lambda b, ebr, lor: (ebr[b], 0, 0)),
                pl.BlockSpec((1, 1, T), lambda b, ebr, lor: (ebr[b], 0, 0)),
                pl.BlockSpec((T, D), lambda b, ebr, lor: (0, 0)),
                pl.BlockSpec((1, D, MI), lambda b, ebr, lor: (ebr[b], 0, 0)),
                pl.BlockSpec((1, MI, D), lambda b, ebr, lor: (ebr[b], 0, 0)),
                pl.BlockSpec((1, D, MI), lambda b, ebr, lor: (ebr[b], 0, 0)),
            ],
            out_specs=pl.BlockSpec((BS, D), lambda b, ebr, lor: (b, 0)),
        ),
        out_shape=jax.ShapeDtypeStruct((NPAD, D), jnp.float32),
        interpret=_INTERPRET,
    )(eb, lo, ct.reshape(E, 1, T), combt.reshape(E, 1, T), x2,
      ew1b, ew2b, ew3b)

    pidx = jnp.concatenate([p1, p2], axis=1).reshape(2 * T)
    g2d = _sc_gather_rows(oc, pidx, 2 * T // _NW, 2 * T // _NW // 8)

    out = pl.pallas_call(
        _final_kernel,
        grid=(NTB,),
        in_specs=[
            pl.BlockSpec((BT, D), lambda i: (i, 0)),
            pl.BlockSpec((BT, D), lambda i: (i, 0)),
            pl.BlockSpec((BT, D), lambda i: (NTB + i, 0)),
        ],
        out_specs=pl.BlockSpec((BT, D), lambda i: (i, 0)),
        out_shape=jax.ShapeDtypeStruct((T, D), jnp.float32),
        interpret=_INTERPRET,
    )(base, g2d, g2d)

    return out.reshape(B, T, D)

# --- scband reference (transcript-rebuilt; emitter-appended) ---
"""Pipeline reference for scband-block-47425028882762 (READ-ONLY COPY).

The authoritative reference and input builder live on the scoring server;
editing this copy changes nothing except your own understanding.
"""

import jax, jax.numpy as jnp
import numpy as np

D = 2048; H = 16; QL = 1536; KVL = 512; DN = 128; DR = 64; DV = 128
E = 8; K = 2; MI = 1024; NSH = 2


def rms_norm(x, w, eps=1e-6):
    return x * jax.lax.rsqrt(jnp.mean(x * x, axis=-1, keepdims=True) + eps) * w


def apply_rope(x, freqs):
    # x: (B, T, h, d); freqs: (T, d//2) real-valued (complex mult by real scalar
    # scales both real and imag components equally)
    B, T, h, d = x.shape
    xr = x.reshape(B, T, h, d // 2, 2)
    f = freqs.reshape(1, T, 1, d // 2, 1)
    return (xr * f).reshape(B, T, h, d)


def setup_inputs():
    k = jax.random.key(0)
    ks = [jax.random.fold_in(k, i) for i in range(20)]
    B, T = 1, 2048
    s = 0.02
    inp = {}
    inp['x'] = jax.random.normal(ks[0], (B, T, D), dtype=jnp.float32)
    inp['freqs_cis'] = jax.random.normal(ks[1], (T, DR // 2), dtype=jnp.float32)
    inp['W_lat'] = jax.random.normal(ks[2], (D, QL + KVL + DR), dtype=jnp.float32) * s
    inp['qn_w'] = jnp.ones((QL,), dtype=jnp.float32)
    inp['W_qup'] = jax.random.normal(ks[3], (QL, H * (DN + DR)), dtype=jnp.float32) * s
    inp['kvn_w'] = jnp.ones((KVL,), dtype=jnp.float32)
    inp['W_kvup'] = jax.random.normal(ks[4], (KVL, H * (DN + DV)), dtype=jnp.float32) * s
    inp['W_cproj'] = jax.random.normal(ks[5], (D, D), dtype=jnp.float32) * s
    inp['rn1_w'] = jnp.ones((D,), dtype=jnp.float32)
    inp['rn2_w'] = jnp.ones((D,), dtype=jnp.float32)
    inp['sw1'] = jax.random.normal(ks[6], (D, MI * NSH), dtype=jnp.float32) * s
    inp['sw2'] = jax.random.normal(ks[7], (MI * NSH, D), dtype=jnp.float32) * s
    inp['sw3'] = jax.random.normal(ks[8], (D, MI * NSH), dtype=jnp.float32) * s
    inp['gate_w'] = jax.random.normal(ks[9], (D, E), dtype=jnp.float32) * s
    inp['ew1'] = jax.random.normal(ks[10], (E, D, MI), dtype=jnp.float32) * s
    inp['ew2'] = jax.random.normal(ks[11], (E, MI, D), dtype=jnp.float32) * s
    inp['ew3'] = jax.random.normal(ks[12], (E, D, MI), dtype=jnp.float32) * s
    return inp


def _mla(x, freqs, W_lat, qn_w, W_qup, kvn_w, W_kvup, W_cproj):
    B, T, _ = x.shape
    lat = x @ W_lat
    q_lat = lat[..., :QL]
    kv_lat = lat[..., QL:QL + KVL]
    k_rope = lat[..., QL + KVL:]
    q = (rms_norm(q_lat, qn_w) @ W_qup).reshape(B, T, H, DN + DR)
    q_nope = q[..., :DN]
    q_rope = apply_rope(q[..., DN:], freqs)
    q = jnp.concatenate([q_nope, q_rope], axis=-1).transpose(0, 2, 1, 3)
    kv = (rms_norm(kv_lat, kvn_w) @ W_kvup).reshape(B, T, H, DN + DV)
    k_nope = kv[..., :DN]
    v = kv[..., DN:]
    kr = apply_rope(k_rope[:, :, None, :], freqs)
    kr = jnp.broadcast_to(kr, (B, T, H, DR))
    kk = jnp.concatenate([k_nope, kr], axis=-1).transpose(0, 2, 1, 3)
    vv = v.transpose(0, 2, 1, 3)
    scale = 1.0 / jnp.sqrt(jnp.float32(DN + DR))
    sc = jnp.einsum('bhqd,bhkd->bhqk', q, kk) * scale
    mask = jnp.tril(jnp.ones((T, T), dtype=bool))
    sc = jnp.where(mask[None, None], sc, -jnp.inf)
    att = jax.nn.softmax(sc, axis=-1)
    y = jnp.einsum('bhqk,bhkd->bhqd', att, vv).transpose(0, 2, 1, 3).reshape(B, T, H * DV)
    return y @ W_cproj


def _moe(x2d, sw1, sw2, sw3, gate_w, ew1, ew2, ew3):
    # shared experts (always-on MLP)
    y = (jax.nn.silu(x2d @ sw1) * (x2d @ sw3)) @ sw2
    # gate: softmax scores, top-k routing, gather original scores as weights
    scores = jax.nn.softmax(x2d @ gate_w, axis=-1)
    _, topi = jax.lax.top_k(scores, K)
    weights = jnp.take_along_axis(scores, topi, axis=1) * 1.0  # route_scale = 1.0
    comb = (jax.nn.one_hot(topi, E, dtype=x2d.dtype) * weights[..., None]).sum(axis=1)  # (T, E)
    # routed experts: dense computation, masked-weighted combine (math-equivalent
    # to the per-expert sparse dispatch loop in the torch module)
    h = jax.nn.silu(jnp.einsum('td,edh->eth', x2d, ew1)) * jnp.einsum('td,edh->eth', x2d, ew3)
    out = jnp.einsum('eth,ehd->etd', h, ew2)
    y = y + jnp.einsum('etd,te->td', out, comb)
    return y


def reference(x, freqs_cis, W_lat, qn_w, W_qup, kvn_w, W_kvup, W_cproj,
              rn1_w, rn2_w, sw1, sw2, sw3, gate_w, ew1, ew2, ew3):
    B, T, _ = x.shape
    x1 = x + _mla(rms_norm(x, rn1_w), freqs_cis, W_lat, qn_w, W_qup, kvn_w, W_kvup, W_cproj)
    y = _moe(rms_norm(x1, rn2_w).reshape(-1, D), sw1, sw2, sw3, gate_w, ew1, ew2, ew3)
    # loss_bal is None in eval mode (auxiliary_loss=False / not training)
    return x1 + y.reshape(B, T, D)

if __name__ == "__main__":
    import jax
    _d = setup_inputs()
    print(jax.jit(kernel)(*tuple(_d.values())))

</pallas_src>

<mosaic_0001>
#map = affine_map<(d0, d1) -> (0, 0)>
#map1 = affine_map<(d0, d1) -> (0)>
module attributes {stable_mosaic.version = 14 : i64} {
  func.func @k(%arg0: i32, %arg1: i32, %arg2: memref<6144x2048xf32, #tpu.memory_space<hbm>>, %arg3: memref<4096xi32, #tpu.memory_space<hbm>>, %arg4: memref<4096x2048xf32, #tpu.memory_space<hbm>>, %arg5: memref<128xi32, #tpu.memory_space<vmem>>, %arg6: memref<16x2048xf32, #tpu.memory_space<vmem>>, %arg7: memref<16x2048xf32, #tpu.memory_space<vmem>>, %arg8: memref<!tpu.dma_semaphore, #tpu.memory_space<semaphore_mem>>, %arg9: memref<!tpu.dma_semaphore, #tpu.memory_space<semaphore_mem>>) attributes {dimension_semantics = [#tpu.dimension_semantics<core_parallel>, #tpu.dimension_semantics<subcore_parallel>], iteration_bounds = array<i64: 2, 16>, scalar_prefetch = 0 : i64, scratch_operands = 5 : i64, tpu.core_type = #tpu.core_type<sc_vector_subcore>, window_params = [{transform_indices = #map}, {transform_indices = #map1}, {transform_indices = #map}]} {
    %mul3A = arith.constant 2 : i32
    %mul3A_0 = arith.muli %arg1, %mul3A : i32
    %add3A = arith.addi %mul3A_0, %arg0 : i32
    %mul3A_1 = arith.constant 128 : i32
    %mul3A_2 = arith.muli %add3A, %mul3A_1 : i32
    "tpu.region"() ({
      %run_scoped3A = tpu.sem_alloc : memref<!tpu.dma_semaphore, #tpu.memory_space<semaphore_mem>>
      %dma_start3A_97 = tpu.memref_slice %arg3[%mul3A_2] : memref<4096xi32, #tpu.memory_space<hbm>> -> memref<128xi32, #tpu.memory_space<hbm>>
      %dma_start3A_98 = tpu.memref_slice %arg3[%mul3A_2] : memref<4096xi32, #tpu.memory_space<hbm>> -> memref<128xi32, #tpu.memory_space<hbm>>
      tpu.enqueue_dma source(%dma_start3A_98 : memref<128xi32, #tpu.memory_space<hbm>>) target(%arg5 : memref<128xi32, #tpu.memory_space<vmem>>) target_semaphore(%run_scoped3A : memref<!tpu.dma_semaphore, #tpu.memory_space<semaphore_mem>>)
      %dma_wait3A_99 = tpu.memref_slice %arg3[%mul3A_2] : memref<4096xi32, #tpu.memory_space<hbm>> -> memref<128xi32, #tpu.memory_space<hbm>>
      %dma_wait3A_100 = tpu.memref_slice %arg3[%mul3A_2] : memref<4096xi32, #tpu.memory_space<hbm>> -> memref<128xi32, #tpu.memory_space<hbm>>
      tpu.wait_dma2 semaphore(%run_scoped3A : memref<!tpu.dma_semaphore, #tpu.memory_space<semaphore_mem>>) src(%dma_wait3A_100 : memref<128xi32, #tpu.memory_space<hbm>>) dst(%arg5 : memref<128xi32, #tpu.memory_space<vmem>>)
      tpu.yield
    }) : () -> ()
    %dma_start3A = arith.constant 0 : i32
    %dma_start3A_3 = tpu.memref_slice %arg5[%dma_start3A] : memref<128xi32, #tpu.memory_space<vmem>> -> memref<16xi32, #tpu.memory_space<vmem>>
    %dma_start3A_4 = arith.constant 0 : i32
    %dma_start3A_5 = arith.constant 0 : i32
    %dma_start3A_6 = tpu.memref_slice %arg2[%dma_start3A_4, %dma_start3A_5] : memref<6144x2048xf32, #tpu.memory_space<hbm>> -> memref<6144x2048xf32, #tpu.memory_space<hbm>>
    tpu.enqueue_indirect_dma source(%dma_start3A_6 : memref<6144x2048xf32, #tpu.memory_space<hbm>>) target(%arg6 : memref<16x2048xf32, #tpu.memory_space<vmem>>) offsets(%dma_start3A_3 : memref<16xi32, #tpu.memory_space<vmem>>) semaphore(%arg8 : memref<!tpu.dma_semaphore, #tpu.memory_space<semaphore_mem>>)
    %dma_start3A_7 = arith.constant 16 : i32
    %dma_start3A_8 = tpu.memref_slice %arg5[%dma_start3A_7] : memref<128xi32, #tpu.memory_space<vmem>> -> memref<16xi32, #tpu.memory_space<vmem>>
    %dma_start3A_9 = arith.constant 0 : i32
    %dma_start3A_10 = arith.constant 0 : i32
    %dma_start3A_11 = tpu.memref_slice %arg2[%dma_start3A_9, %dma_start3A_10] : memref<6144x2048xf32, #tpu.memory_space<hbm>> -> memref<6144x2048xf32, #tpu.memory_space<hbm>>
    tpu.enqueue_indirect_dma source(%dma_start3A_11 : memref<6144x2048xf32, #tpu.memory_space<hbm>>) target(%arg7 : memref<16x2048xf32, #tpu.memory_space<vmem>>) offsets(%dma_start3A_8 : memref<16xi32, #tpu.memory_space<vmem>>) semaphore(%arg9 : memref<!tpu.dma_semaphore, #tpu.memory_space<semaphore_mem>>)
    %dma_wait3A = arith.constant 0 : i32
    %dma_wait3A_12 = tpu.memref_slice %arg5[%dma_wait3A] : memref<128xi32, #tpu.memory_space<vmem>> -> memref<16xi32, #tpu.memory_space<vmem>>
    %dma_wait3A_13 = arith.constant 0 : i32
    %dma_wait3A_14 = arith.constant 0 : i32
    %dma_wait3A_15 = tpu.memref_slice %arg2[%dma_wait3A_13, %dma_wait3A_14] : memref<6144x2048xf32, #tpu.memory_space<hbm>> -> memref<6144x2048xf32, #tpu.memory_space<hbm>>
    tpu.wait_indirect_dma semaphore(%arg8 : memref<!tpu.dma_semaphore, #tpu.memory_space<semaphore_mem>>) src(%dma_wait3A_15 : memref<6144x2048xf32, #tpu.memory_space<hbm>>) dst(%arg6 : memref<16x2048xf32, #tpu.memory_space<vmem>>)
    %add3A_16 = arith.constant 0 : i32
    %add3A_17 = arith.addi %mul3A_2, %add3A_16 : i32
    "tpu.region"() ({
      %run_scoped3A = tpu.sem_alloc : memref<!tpu.dma_semaphore, #tpu.memory_space<semaphore_mem>>
      %dma_start3A_97 = arith.constant 0 : i32
      %dma_start3A_98 = tpu.memref_slice %arg4[%add3A_17, %dma_start3A_97] : memref<4096x2048xf32, #tpu.memory_space<hbm>> -> memref<16x2048xf32, #tpu.memory_space<hbm>>
      %dma_start3A_99 = arith.constant 0 : i32
      %dma_start3A_100 = tpu.memref_slice %arg4[%add3A_17, %dma_start3A_99] : memref<4096x2048xf32, #tpu.memory_space<hbm>> -> memref<16x2048xf32, #tpu.memory_space<hbm>>
      tpu.enqueue_dma source(%arg6 : memref<16x2048xf32, #tpu.memory_space<vmem>>) target(%dma_start3A_100 : memref<16x2048xf32, #tpu.memory_space<hbm>>) target_semaphore(%run_scoped3A : memref<!tpu.dma_semaphore, #tpu.memory_space<semaphore_mem>>)
      %dma_wait3A_101 = arith.constant 0 : i32
      %dma_wait3A_102 = tpu.memref_slice %arg4[%add3A_17, %dma_wait3A_101] : memref<4096x2048xf32, #tpu.memory_space<hbm>> -> memref<16x2048xf32, #tpu.memory_space<hbm>>
      %dma_wait3A_103 = arith.constant 0 : i32
      %dma_wait3A_104 = tpu.memref_slice %arg4[%add3A_17, %dma_wait3A_103] : memref<4096x2048xf32, #tpu.memory_space<hbm>> -> memref<16x2048xf32, #tpu.memory_space<hbm>>
      tpu.wait_dma2 semaphore(%run_scoped3A : memref<!tpu.dma_semaphore, #tpu.memory_space<semaphore_mem>>) src(%arg6 : memref<16x2048xf32, #tpu.memory_space<vmem>>) dst(%dma_wait3A_104 : memref<16x2048xf32, #tpu.memory_space<hbm>>)
      tpu.yield
    }) : () -> ()
    %dma_start3A_18 = arith.constant 32 : i32
    %dma_start3A_19 = tpu.memref_slice %arg5[%dma_start3A_18] : memref<128xi32, #tpu.memory_space<vmem>> -> memref<16xi32, #tpu.memory_space<vmem>>
    %dma_start3A_20 = arith.constant 0 : i32
    %dma_start3A_21 = arith.constant 0 : i32
    %dma_start3A_22 = tpu.memref_slice %arg2[%dma_start3A_20, %dma_start3A_21] : memref<6144x2048xf32, #tpu.memory_space<hbm>> -> memref<6144x2048xf32, #tpu.memory_space<hbm>>
    tpu.enqueue_indirect_dma source(%dma_start3A_22 : memref<6144x2048xf32, #tpu.memory_space<hbm>>) target(%arg6 : memref<16x2048xf32, #tpu.memory_space<vmem>>) offsets(%dma_start3A_19 : memref<16xi32, #tpu.memory_space<vmem>>) semaphore(%arg8 : memref<!tpu.dma_semaphore, #tpu.memory_space<semaphore_mem>>)
    %dma_wait3A_23 = arith.constant 16 : i32
    %dma_wait3A_24 = tpu.memref_slice %arg5[%dma_wait3A_23] : memref<128xi32, #tpu.memory_space<vmem>> -> memref<16xi32, #tpu.memory_space<vmem>>
    %dma_wait3A_25 = arith.constant 0 : i32
    %dma_wait3A_26 = arith.constant 0 : i32
    %dma_wait3A_27 = tpu.memref_slice %arg2[%dma_wait3A_25, %dma_wait3A_26] : memref<6144x2048xf32, #tpu.memory_space<hbm>> -> memref<6144x2048xf32, #tpu.memory_space<hbm>>
    tpu.wait_indirect_dma semaphore(%arg9 : memref<!tpu.dma_semaphore, #tpu.memory_space<semaphore_mem>>) src(%dma_wait3A_27 : memref<6144x2048xf32, #tpu.memory_space<hbm>>) dst(%arg7 : memref<16x2048xf32, #tpu.memory_space<vmem>>)
    %add3A_28 = arith.constant 16 : i32
    %add3A_29 = arith.addi %mul3A_2, %add3A_28 : i32
    "tpu.region"() ({
      %run_scoped3A = tpu.sem_alloc : memref<!tpu.dma_semaphore, #tpu.memory_space<semaphore_mem>>
      %dma_start3A_97 = arith.constant 0 : i32
      %dma_start3A_98 = tpu.memref_slice %arg4[%add3A_29, %dma_start3A_97] : memref<4096x2048xf32, #tpu.memory_space<hbm>> -> memref<16x2048xf32, #tpu.memory_space<hbm>>
      %dma_start3A_99 = arith.constant 0 : i32
      %dma_start3A_100 = tpu.memref_slice %arg4[%add3A_29, %dma_start3A_99] : memref<4096x2048xf32, #tpu.memory_space<hbm>> -> memref<16x2048xf32, #tpu.memory_space<hbm>>
      tpu.enqueue_dma source(%arg7 : memref<16x2048xf32, #tpu.memory_space<vmem>>) target(%dma_start3A_100 : memref<16x2048xf32, #tpu.memory_space<hbm>>) target_semaphore(%run_scoped3A : memref<!tpu.dma_semaphore, #tpu.memory_space<semaphore_mem>>)
      %dma_wait3A_101 = arith.constant 0 : i32
      %dma_wait3A_102 = tpu.memref_slice %arg4[%add3A_29, %dma_wait3A_101] : memref<4096x2048xf32, #tpu.memory_space<hbm>> -> memref<16x2048xf32, #tpu.memory_space<hbm>>
      %dma_wait3A_103 = arith.constant 0 : i32
      %dma_wait3A_104 = tpu.memref_slice %arg4[%add3A_29, %dma_wait3A_103] : memref<4096x2048xf32, #tpu.memory_space<hbm>> -> memref<16x2048xf32, #tpu.memory_space<hbm>>
      tpu.wait_dma2 semaphore(%run_scoped3A : memref<!tpu.dma_semaphore, #tpu.memory_space<semaphore_mem>>) src(%arg7 : memref<16x2048xf32, #tpu.memory_space<vmem>>) dst(%dma_wait3A_104 : memref<16x2048xf32, #tpu.memory_space<hbm>>)
      tpu.yield
    }) : () -> ()
    %dma_start3A_30 = arith.constant 48 : i32
    %dma_start3A_31 = tpu.memref_slice %arg5[%dma_start3A_30] : memref<128xi32, #tpu.memory_space<vmem>> -> memref<16xi32, #tpu.memory_space<vmem>>
    %dma_start3A_32 = arith.constant 0 : i32
    %dma_start3A_33 = arith.constant 0 : i32
    %dma_start3A_34 = tpu.memref_slice %arg2[%dma_start3A_32, %dma_start3A_33] : memref<6144x2048xf32, #tpu.memory_space<hbm>> -> memref<6144x2048xf32, #tpu.memory_space<hbm>>
    tpu.enqueue_indirect_dma source(%dma_start3A_34 : memref<6144x2048xf32, #tpu.memory_space<hbm>>) target(%arg7 : memref<16x2048xf32, #tpu.memory_space<vmem>>) offsets(%dma_start3A_31 : memref<16xi32, #tpu.memory_space<vmem>>) semaphore(%arg9 : memref<!tpu.dma_semaphore, #tpu.memory_space<semaphore_mem>>)
    %dma_wait3A_35 = arith.constant 32 : i32
    %dma_wait3A_36 = tpu.memref_slice %arg5[%dma_wait3A_35] : memref<128xi32, #tpu.memory_space<vmem>> -> memref<16xi32, #tpu.memory_space<vmem>>
    %dma_wait3A_37 = arith.constant 0 : i32
    %dma_wait3A_38 = arith.constant 0 : i32
    %dma_wait3A_39 = tpu.memref_slice %arg2[%dma_wait3A_37, %dma_wait3A_38] : memref<6144x2048xf32, #tpu.memory_space<hbm>> -> memref<6144x2048xf32, #tpu.memory_space<hbm>>
    tpu.wait_indirect_dma semaphore(%arg8 : memref<!tpu.dma_semaphore, #tpu.memory_space<semaphore_mem>>) src(%dma_wait3A_39 : memref<6144x2048xf32, #tpu.memory_space<hbm>>) dst(%arg6 : memref<16x2048xf32, #tpu.memory_space<vmem>>)
    %add3A_40 = arith.constant 32 : i32
    %add3A_41 = arith.addi %mul3A_2, %add3A_40 : i32
    "tpu.region"() ({
      %run_scoped3A = tpu.sem_alloc : memref<!tpu.dma_semaphore, #tpu.memory_space<semaphore_mem>>
      %dma_start3A_97 = arith.constant 0 : i32
      %dma_start3A_98 = tpu.memref_slice %arg4[%add3A_41, %dma_start3A_97] : memref<4096x2048xf32, #tpu.memory_space<hbm>> -> memref<16x2048xf32, #tpu.memory_space<hbm>>
      %dma_start3A_99 = arith.constant 0 : i32
      %dma_start3A_100 = tpu.memref_slice %arg4[%add3A_41, %dma_start3A_99] : memref<4096x2048xf32, #tpu.memory_space<hbm>> -> memref<16x2048xf32, #tpu.memory_space<hbm>>
      tpu.enqueue_dma source(%arg6 : memref<16x2048xf32, #tpu.memory_space<vmem>>) target(%dma_start3A_100 : memref<16x2048xf32, #tpu.memory_space<hbm>>) target_semaphore(%run_scoped3A : memref<!tpu.dma_semaphore, #tpu.memory_space<semaphore_mem>>)
      %dma_wait3A_101 = arith.constant 0 : i32
      %dma_wait3A_102 = tpu.memref_slice %arg4[%add3A_41, %dma_wait3A_101] : memref<4096x2048xf32, #tpu.memory_space<hbm>> -> memref<16x2048xf32, #tpu.memory_space<hbm>>
      %dma_wait3A_103 = arith.constant 0 : i32
      %dma_wait3A_104 = tpu.memref_slice %arg4[%add3A_41, %dma_wait3A_103] : memref<4096x2048xf32, #tpu.memory_space<hbm>> -> memref<16x2048xf32, #tpu.memory_space<hbm>>
      tpu.wait_dma2 semaphore(%run_scoped3A : memref<!tpu.dma_semaphore, #tpu.memory_space<semaphore_mem>>) src(%arg6 : memref<16x2048xf32, #tpu.memory_space<vmem>>) dst(%dma_wait3A_104 : memref<16x2048xf32, #tpu.memory_space<hbm>>)
      tpu.yield
    }) : () -> ()
    %dma_start3A_42 = arith.constant 64 : i32
    %dma_start3A_43 = tpu.memref_slice %arg5[%dma_start3A_42] : memref<128xi32, #tpu.memory_space<vmem>> -> memref<16xi32, #tpu.memory_space<vmem>>
    %dma_start3A_44 = arith.constant 0 : i32
    %dma_start3A_45 = arith.constant 0 : i32
    %dma_start3A_46 = tpu.memref_slice %arg2[%dma_start3A_44, %dma_start3A_45] : memref<6144x2048xf32, #tpu.memory_space<hbm>> -> memref<6144x2048xf32, #tpu.memory_space<hbm>>
    tpu.enqueue_indirect_dma source(%dma_start3A_46 : memref<6144x2048xf32, #tpu.memory_space<hbm>>) target(%arg6 : memref<16x2048xf32, #tpu.memory_space<vmem>>) offsets(%dma_start3A_43 : memref<16xi32, #tpu.memory_space<vmem>>) semaphore(%arg8 : memref<!tpu.dma_semaphore, #tpu.memory_space<semaphore_mem>>)
    %dma_wait3A_47 = arith.constant 48 : i32
    %dma_wait3A_48 = tpu.memref_slice %arg5[%dma_wait3A_47] : memref<128xi32, #tpu.memory_space<vmem>> -> memref<16xi32, #tpu.memory_space<vmem>>
    %dma_wait3A_49 = arith.constant 0 : i32
    %dma_wait3A_50 = arith.constant 0 : i32
    %dma_wait3A_51 = tpu.memref_slice %arg2[%dma_wait3A_49, %dma_wait3A_50] : memref<6144x2048xf32, #tpu.memory_space<hbm>> -> memref<6144x2048xf32, #tpu.memory_space<hbm>>
    tpu.wait_indirect_dma semaphore(%arg9 : memref<!tpu.dma_semaphore, #tpu.memory_space<semaphore_mem>>) src(%dma_wait3A_51 : memref<6144x2048xf32, #tpu.memory_space<hbm>>) dst(%arg7 : memref<16x2048xf32, #tpu.memory_space<vmem>>)
    %add3A_52 = arith.constant 48 : i32
    %add3A_53 = arith.addi %mul3A_2, %add3A_52 : i32
    "tpu.region"() ({
      %run_scoped3A = tpu.sem_alloc : memref<!tpu.dma_semaphore, #tpu.memory_space<semaphore_mem>>
      %dma_start3A_97 = arith.constant 0 : i32
      %dma_start3A_98 = tpu.memref_slice %arg4[%add3A_53, %dma_start3A_97] : memref<4096x2048xf32, #tpu.memory_space<hbm>> -> memref<16x2048xf32, #tpu.memory_space<hbm>>
      %dma_start3A_99 = arith.constant 0 : i32
      %dma_start3A_100 = tpu.memref_slice %arg4[%add3A_53, %dma_start3A_99] : memref<4096x2048xf32, #tpu.memory_space<hbm>> -> memref<16x2048xf32, #tpu.memory_space<hbm>>
      tpu.enqueue_dma source(%arg7 : memref<16x2048xf32, #tpu.memory_space<vmem>>) target(%dma_start3A_100 : memref<16x2048xf32, #tpu.memory_space<hbm>>) target_semaphore(%run_scoped3A : memref<!tpu.dma_semaphore, #tpu.memory_space<semaphore_mem>>)
      %dma_wait3A_101 = arith.constant 0 : i32
      %dma_wait3A_102 = tpu.memref_slice %arg4[%add3A_53, %dma_wait3A_101] : memref<4096x2048xf32, #tpu.memory_space<hbm>> -> memref<16x2048xf32, #tpu.memory_space<hbm>>
      %dma_wait3A_103 = arith.constant 0 : i32
      %dma_wait3A_104 = tpu.memref_slice %arg4[%add3A_53, %dma_wait3A_103] : memref<4096x2048xf32, #tpu.memory_space<hbm>> -> memref<16x2048xf32, #tpu.memory_space<hbm>>
      tpu.wait_dma2 semaphore(%run_scoped3A : memref<!tpu.dma_semaphore, #tpu.memory_space<semaphore_mem>>) src(%arg7 : memref<16x2048xf32, #tpu.memory_space<vmem>>) dst(%dma_wait3A_104 : memref<16x2048xf32, #tpu.memory_space<hbm>>)
      tpu.yield
    }) : () -> ()
    %dma_start3A_54 = arith.constant 80 : i32
    %dma_start3A_55 = tpu.memref_slice %arg5[%dma_start3A_54] : memref<128xi32, #tpu.memory_space<vmem>> -> memref<16xi32, #tpu.memory_space<vmem>>
    %dma_start3A_56 = arith.constant 0 : i32
    %dma_start3A_57 = arith.constant 0 : i32
    %dma_start3A_58 = tpu.memref_slice %arg2[%dma_start3A_56, %dma_start3A_57] : memref<6144x2048xf32, #tpu.memory_space<hbm>> -> memref<6144x2048xf32, #tpu.memory_space<hbm>>
    tpu.enqueue_indirect_dma source(%dma_start3A_58 : memref<6144x2048xf32, #tpu.memory_space<hbm>>) target(%arg7 : memref<16x2048xf32, #tpu.memory_space<vmem>>) offsets(%dma_start3A_55 : memref<16xi32, #tpu.memory_space<vmem>>) semaphore(%arg9 : memref<!tpu.dma_semaphore, #tpu.memory_space<semaphore_mem>>)
    %dma_wait3A_59 = arith.constant 64 : i32
    %dma_wait3A_60 = tpu.memref_slice %arg5[%dma_wait3A_59] : memref<128xi32, #tpu.memory_space<vmem>> -> memref<16xi32, #tpu.memory_space<vmem>>
    %dma_wait3A_61 = arith.constant 0 : i32
    %dma_wait3A_62 = arith.constant 0 : i32
    %dma_wait3A_63 = tpu.memref_slice %arg2[%dma_wait3A_61, %dma_wait3A_62] : memref<6144x2048xf32, #tpu.memory_space<hbm>> -> memref<6144x2048xf32, #tpu.memory_space<hbm>>
    tpu.wait_indirect_dma semaphore(%arg8 : memref<!tpu.dma_semaphore, #tpu.memory_space<semaphore_mem>>) src(%dma_wait3A_63 : memref<6144x2048xf32, #tpu.memory_space<hbm>>) dst(%arg6 : memref<16x2048xf32, #tpu.memory_space<vmem>>)
    %add3A_64 = arith.constant 64 : i32
    %add3A_65 = arith.addi %mul3A_2, %add3A_64 : i32
    "tpu.region"() ({
      %run_scoped3A = tpu.sem_alloc : memref<!tpu.dma_semaphore, #tpu.memory_space<semaphore_mem>>
      %dma_start3A_97 = arith.constant 0 : i32
      %dma_start3A_98 = tpu.memref_slice %arg4[%add3A_65, %dma_start3A_97] : memref<4096x2048xf32, #tpu.memory_space<hbm>> -> memref<16x2048xf32, #tpu.memory_space<hbm>>
      %dma_start3A_99 = arith.constant 0 : i32
      %dma_start3A_100 = tpu.memref_slice %arg4[%add3A_65, %dma_start3A_99] : memref<4096x2048xf32, #tpu.memory_space<hbm>> -> memref<16x2048xf32, #tpu.memory_space<hbm>>
      tpu.enqueue_dma source(%arg6 : memref<16x2048xf32, #tpu.memory_space<vmem>>) target(%dma_start3A_100 : memref<16x2048xf32, #tpu.memory_space<hbm>>) target_semaphore(%run_scoped3A : memref<!tpu.dma_semaphore, #tpu.memory_space<semaphore_mem>>)
      %dma_wait3A_101 = arith.constant 0 : i32
      %dma_wait3A_102 = tpu.memref_slice %arg4[%add3A_65, %dma_wait3A_101] : memref<4096x2048xf32, #tpu.memory_space<hbm>> -> memref<16x2048xf32, #tpu.memory_space<hbm>>
      %dma_wait3A_103 = arith.constant 0 : i32
      %dma_wait3A_104 = tpu.memref_slice %arg4[%add3A_65, %dma_wait3A_103] : memref<4096x2048xf32, #tpu.memory_space<hbm>> -> memref<16x2048xf32, #tpu.memory_space<hbm>>
      tpu.wait_dma2 semaphore(%run_scoped3A : memref<!tpu.dma_semaphore, #tpu.memory_space<semaphore_mem>>) src(%arg6 : memref<16x2048xf32, #tpu.memory_space<vmem>>) dst(%dma_wait3A_104 : memref<16x2048xf32, #tpu.memory_space<hbm>>)
      tpu.yield
    }) : () -> ()
    %dma_start3A_66 = arith.constant 96 : i32
    %dma_start3A_67 = tpu.memref_slice %arg5[%dma_start3A_66] : memref<128xi32, #tpu.memory_space<vmem>> -> memref<16xi32, #tpu.memory_space<vmem>>
    %dma_start3A_68 = arith.constant 0 : i32
    %dma_start3A_69 = arith.constant 0 : i32
    %dma_start3A_70 = tpu.memref_slice %arg2[%dma_start3A_68, %dma_start3A_69] : memref<6144x2048xf32, #tpu.memory_space<hbm>> -> memref<6144x2048xf32, #tpu.memory_space<hbm>>
    tpu.enqueue_indirect_dma source(%dma_start3A_70 : memref<6144x2048xf32, #tpu.memory_space<hbm>>) target(%arg6 : memref<16x2048xf32, #tpu.memory_space<vmem>>) offsets(%dma_start3A_67 : memref<16xi32, #tpu.memory_space<vmem>>) semaphore(%arg8 : memref<!tpu.dma_semaphore, #tpu.memory_space<semaphore_mem>>)
    %dma_wait3A_71 = arith.constant 80 : i32
    %dma_wait3A_72 = tpu.memref_slice %arg5[%dma_wait3A_71] : memref<128xi32, #tpu.memory_space<vmem>> -> memref<16xi32, #tpu.memory_space<vmem>>
    %dma_wait3A_73 = arith.constant 0 : i32
    %dma_wait3A_74 = arith.constant 0 : i32
    %dma_wait3A_75 = tpu.memref_slice %arg2[%dma_wait3A_73, %dma_wait3A_74] : memref<6144x2048xf32, #tpu.memory_space<hbm>> -> memref<6144x2048xf32, #tpu.memory_space<hbm>>
    tpu.wait_indirect_dma semaphore(%arg9 : memref<!tpu.dma_semaphore, #tpu.memory_space<semaphore_mem>>) src(%dma_wait3A_75 : memref<6144x2048xf32, #tpu.memory_space<hbm>>) dst(%arg7 : memref<16x2048xf32, #tpu.memory_space<vmem>>)
    %add3A_76 = arith.constant 80 : i32
    %add3A_77 = arith.addi %mul3A_2, %add3A_76 : i32
    "tpu.region"() ({
      %run_scoped3A = tpu.sem_alloc : memref<!tpu.dma_semaphore, #tpu.memory_space<semaphore_mem>>
      %dma_start3A_97 = arith.constant 0 : i32
      %dma_start3A_98 = tpu.memref_slice %arg4[%add3A_77, %dma_start3A_97] : memref<4096x2048xf32, #tpu.memory_space<hbm>> -> memref<16x2048xf32, #tpu.memory_space<hbm>>
      %dma_start3A_99 = arith.constant 0 : i32
      %dma_start3A_100 = tpu.memref_slice %arg4[%add3A_77, %dma_start3A_99] : memref<4096x2048xf32, #tpu.memory_space<hbm>> -> memref<16x2048xf32, #tpu.memory_space<hbm>>
      tpu.enqueue_dma source(%arg7 : memref<16x2048xf32, #tpu.memory_space<vmem>>) target(%dma_start3A_100 : memref<16x2048xf32, #tpu.memory_space<hbm>>) target_semaphore(%run_scoped3A : memref<!tpu.dma_semaphore, #tpu.memory_space<semaphore_mem>>)
      %dma_wait3A_101 = arith.constant 0 : i32
      %dma_wait3A_102 = tpu.memref_slice %arg4[%add3A_77, %dma_wait3A_101] : memref<4096x2048xf32, #tpu.memory_space<hbm>> -> memref<16x2048xf32, #tpu.memory_space<hbm>>
      %dma_wait3A_103 = arith.constant 0 : i32
      %dma_wait3A_104 = tpu.memref_slice %arg4[%add3A_77, %dma_wait3A_103] : memref<4096x2048xf32, #tpu.memory_space<hbm>> -> memref<16x2048xf32, #tpu.memory_space<hbm>>
      tpu.wait_dma2 semaphore(%run_scoped3A : memref<!tpu.dma_semaphore, #tpu.memory_space<semaphore_mem>>) src(%arg7 : memref<16x2048xf32, #tpu.memory_space<vmem>>) dst(%dma_wait3A_104 : memref<16x2048xf32, #tpu.memory_space<hbm>>)
      tpu.yield
    }) : () -> ()
    %dma_start3A_78 = arith.constant 112 : i32
    %dma_start3A_79 = tpu.memref_slice %arg5[%dma_start3A_78] : memref<128xi32, #tpu.memory_space<vmem>> -> memref<16xi32, #tpu.memory_space<vmem>>
    %dma_start3A_80 = arith.constant 0 : i32
    %dma_start3A_81 = arith.constant 0 : i32
    %dma_start3A_82 = tpu.memref_slice %arg2[%dma_start3A_80, %dma_start3A_81] : memref<6144x2048xf32, #tpu.memory_space<hbm>> -> memref<6144x2048xf32, #tpu.memory_space<hbm>>
    tpu.enqueue_indirect_dma source(%dma_start3A_82 : memref<6144x2048xf32, #tpu.memory_space<hbm>>) target(%arg7 : memref<16x2048xf32, #tpu.memory_space<vmem>>) offsets(%dma_start3A_79 : memref<16xi32, #tpu.memory_space<vmem>>) semaphore(%arg9 : memref<!tpu.dma_semaphore, #tpu.memory_space<semaphore_mem>>)
    %dma_wait3A_83 = arith.constant 96 : i32
    %dma_wait3A_84 = tpu.memref_slice %arg5[%dma_wait3A_83] : memref<128xi32, #tpu.memory_space<vmem>> -> memref<16xi32, #tpu.memory_space<vmem>>
    %dma_wait3A_85 = arith.constant 0 : i32
    %dma_wait3A_86 = arith.constant 0 : i32
    %dma_wait3A_87 = tpu.memref_slice %arg2[%dma_wait3A_85, %dma_wait3A_86] : memref<6144x2048xf32, #tpu.memory_space<hbm>> -> memref<6144x2048xf32, #tpu.memory_space<hbm>>
    tpu.wait_indirect_dma semaphore(%arg8 : memref<!tpu.dma_semaphore, #tpu.memory_space<semaphore_mem>>) src(%dma_wait3A_87 : memref<6144x2048xf32, #tpu.memory_space<hbm>>) dst(%arg6 : memref<16x2048xf32, #tpu.memory_space<vmem>>)
    %add3A_88 = arith.constant 96 : i32
    %add3A_89 = arith.addi %mul3A_2, %add3A_88 : i32
    "tpu.region"() ({
      %run_scoped3A = tpu.sem_alloc : memref<!tpu.dma_semaphore, #tpu.memory_space<semaphore_mem>>
      %dma_start3A_97 = arith.constant 0 : i32
      %dma_start3A_98 = tpu.memref_slice %arg4[%add3A_89, %dma_start3A_97] : memref<4096x2048xf32, #tpu.memory_space<hbm>> -> memref<16x2048xf32, #tpu.memory_space<hbm>>
      %dma_start3A_99 = arith.constant 0 : i32
      %dma_start3A_100 = tpu.memref_slice %arg4[%add3A_89, %dma_start3A_99] : memref<4096x2048xf32, #tpu.memory_space<hbm>> -> memref<16x2048xf32, #tpu.memory_space<hbm>>
      tpu.enqueue_dma source(%arg6 : memref<16x2048xf32, #tpu.memory_space<vmem>>) target(%dma_start3A_100 : memref<16x2048xf32, #tpu.memory_space<hbm>>) target_semaphore(%run_scoped3A : memref<!tpu.dma_semaphore, #tpu.memory_space<semaphore_mem>>)
      %dma_wait3A_101 = arith.constant 0 : i32
      %dma_wait3A_102 = tpu.memref_slice %arg4[%add3A_89, %dma_wait3A_101] : memref<4096x2048xf32, #tpu.memory_space<hbm>> -> memref<16x2048xf32, #tpu.memory_space<hbm>>
      %dma_wait3A_103 = arith.constant 0 : i32
      %dma_wait3A_104 = tpu.memref_slice %arg4[%add3A_89, %dma_wait3A_103] : memref<4096x2048xf32, #tpu.memory_space<hbm>> -> memref<16x2048xf32, #tpu.memory_space<hbm>>
      tpu.wait_dma2 semaphore(%run_scoped3A : memref<!tpu.dma_semaphore, #tpu.memory_space<semaphore_mem>>) src(%arg6 : memref<16x2048xf32, #tpu.memory_space<vmem>>) dst(%dma_wait3A_104 : memref<16x2048xf32, #tpu.memory_space<hbm>>)
      tpu.yield
    }) : () -> ()
    %dma_wait3A_90 = arith.constant 112 : i32
    %dma_wait3A_91 = tpu.memref_slice %arg5[%dma_wait3A_90] : memref<128xi32, #tpu.memory_space<vmem>> -> memref<16xi32, #tpu.memory_space<vmem>>
    %dma_wait3A_92 = arith.constant 0 : i32
    %dma_wait3A_93 = arith.constant 0 : i32
    %dma_wait3A_94 = tpu.memref_slice %arg2[%dma_wait3A_92, %dma_wait3A_93] : memref<6144x2048xf32, #tpu.memory_space<hbm>> -> memref<6144x2048xf32, #tpu.memory_space<hbm>>
    tpu.wait_indirect_dma semaphore(%arg9 : memref<!tpu.dma_semaphore, #tpu.memory_space<semaphore_mem>>) src(%dma_wait3A_94 : memref<6144x2048xf32, #tpu.memory_space<hbm>>) dst(%arg7 : memref<16x2048xf32, #tpu.memory_space<vmem>>)
    %add3A_95 = arith.constant 112 : i32
    %add3A_96 = arith.addi %mul3A_2, %add3A_95 : i32
    "tpu.region"() ({
      %run_scoped3A = tpu.sem_alloc : memref<!tpu.dma_semaphore, #tpu.memory_space<semaphore_mem>>
      %dma_start3A_97 = arith.constant 0 : i32
      %dma_start3A_98 = tpu.memref_slice %arg4[%add3A_96, %dma_start3A_97] : memref<4096x2048xf32, #tpu.memory_space<hbm>> -> memref<16x2048xf32, #tpu.memory_space<hbm>>
      %dma_start3A_99 = arith.constant 0 : i32
      %dma_start3A_100 = tpu.memref_slice %arg4[%add3A_96, %dma_start3A_99] : memref<4096x2048xf32, #tpu.memory_space<hbm>> -> memref<16x2048xf32, #tpu.memory_space<hbm>>
      tpu.enqueue_dma source(%arg7 : memref<16x2048xf32, #tpu.memory_space<vmem>>) target(%dma_start3A_100 : memref<16x2048xf32, #tpu.memory_space<hbm>>) target_semaphore(%run_scoped3A : memref<!tpu.dma_semaphore, #tpu.memory_space<semaphore_mem>>)
      %dma_wait3A_101 = arith.constant 0 : i32
      %dma_wait3A_102 = tpu.memref_slice %arg4[%add3A_96, %dma_wait3A_101] : memref<4096x2048xf32, #tpu.memory_space<hbm>> -> memref<16x2048xf32, #tpu.memory_space<hbm>>
      %dma_wait3A_103 = arith.constant 0 : i32
      %dma_wait3A_104 = tpu.memref_slice %arg4[%add3A_96, %dma_wait3A_103] : memref<4096x2048xf32, #tpu.memory_space<hbm>> -> memref<16x2048xf32, #tpu.memory_space<hbm>>
      tpu.wait_dma2 semaphore(%run_scoped3A : memref<!tpu.dma_semaphore, #tpu.memory_space<semaphore_mem>>) src(%arg7 : memref<16x2048xf32, #tpu.memory_space<vmem>>) dst(%dma_wait3A_104 : memref<16x2048xf32, #tpu.memory_space<hbm>>)
      tpu.yield
    }) : () -> ()
    return
  }
}

module attributes {stable_mosaic.version = 14 : i64} {
  func.func @_lat_kernel(%arg0: i32, %arg1: memref<256x2048xf32, #tpu.memory_space<vmem>>, %arg2: memref<1x2048xf32, #tpu.memory_space<vmem>>, %arg3: memref<1x1536xf32, #tpu.memory_space<vmem>>, %arg4: memref<1x512xf32, #tpu.memory_space<vmem>>, %arg5: memref<256x64xf32, #tpu.memory_space<vmem>>, %arg6: memref<2048x2112xbf16, #tpu.memory_space<vmem>>, %arg7: memref<256x1536xbf16, #tpu.memory_space<vmem>>, %arg8: memref<256x512xbf16, #tpu.memory_space<vmem>>, %arg9: memref<256x64xbf16, #tpu.memory_space<vmem>>) attributes {dimension_semantics = [#tpu.dimension_semantics<arbitrary>], iteration_bounds = array<i64: 8>, scalar_prefetch = 0 : i64, scratch_operands = 0 : i64, tpu.core_type = #tpu.core_type<tc>, window_params = [{transform_indices = @transform_0, window_bounds = array<i64: 256, 2048>}, {pipeline_mode = #tpu.pipeline_mode<synchronous>, transform_indices = @transform_1, window_bounds = array<i64: 1, 2048>}, {pipeline_mode = #tpu.pipeline_mode<synchronous>, transform_indices = @transform_2, window_bounds = array<i64: 1, 1536>}, {pipeline_mode = #tpu.pipeline_mode<synchronous>, transform_indices = @transform_3, window_bounds = array<i64: 1, 512>}, {transform_indices = @transform_4, window_bounds = array<i64: 256, 64>}, {pipeline_mode = #tpu.pipeline_mode<synchronous>, transform_indices = @transform_5, window_bounds = array<i64: 2048, 2112>}, {transform_indices = @transform_6, window_bounds = array<i64: 256, 1536>}, {transform_indices = @transform_7, window_bounds = array<i64: 256, 512>}, {transform_indices = @transform_8, window_bounds = array<i64: 256, 64>}]} {
    %get3A = arith.constant 0 : index
    %get3A_0 = arith.constant 0 : index
    %get3A_1 = vector.load %arg1[%get3A, %get3A_0] : memref<256x2048xf32, #tpu.memory_space<vmem>>, vector<256x2048xf32>
    %get3A_2 = arith.constant 0 : index
    %get3A_3 = arith.constant 0 : index
    %get3A_4 = vector.load %arg2[%get3A_2, %get3A_3] : memref<1x2048xf32, #tpu.memory_space<vmem>>, vector<1x2048xf32>
    %mul3A = arith.mulf %get3A_1, %get3A_1 : vector<256x2048xf32>
    %reduce_sum3A = arith.constant dense<0.000000e+00> : vector<256xf32>
    %reduce_sum3A_5 = vector.multi_reduction <add>, %mul3A, %reduce_sum3A [1] : vector<256x2048xf32> to vector<256xf32>
    %broadcast_in_dim3A = vector.shape_cast %reduce_sum3A_5 : vector<256xf32> to vector<256x1xf32>
    %div3A = arith.constant 2.048000e+03 : f32
    %div3A_6 = vector.broadcast %div3A : f32 to vector<256x1xf32>
    %div3A_7 = arith.divf %broadcast_in_dim3A, %div3A_6 : vector<256x1xf32>
    %add3A = arith.constant 9.99999997E-7 : f32
    %add3A_8 = vector.broadcast %add3A : f32 to vector<256x1xf32>
    %add3A_9 = arith.addf %div3A_7, %add3A_8 : vector<256x1xf32>
    %rsqrt3A = math.rsqrt %add3A_9 : vector<256x1xf32>
    %mul3A_10 = vector.broadcast %rsqrt3A : vector<256x1xf32> to vector<256x2048xf32>
    %mul3A_11 = arith.mulf %get3A_1, %mul3A_10 : vector<256x2048xf32>
    %mul3A_12 = vector.broadcast %get3A_4 : vector<1x2048xf32> to vector<256x2048xf32>
    %mul3A_13 = arith.mulf %mul3A_11, %mul3A_12 : vector<256x2048xf32>
    %get3A_14 = arith.constant 0 : index
    %get3A_15 = arith.constant 0 : index
    %get3A_16 = vector.load %arg6[%get3A_14, %get3A_15] : memref<2048x2112xbf16, #tpu.memory_space<vmem>>, vector<2048x2112xbf16>
    %convert_element_type3A = arith.truncf %mul3A_13 : vector<256x2048xf32> to vector<256x2048xbf16>
    %dot_general3A = arith.constant dense<0.000000e+00> : vector<256x2112xf32>
    %dot_general3A_17 = tpu.matmul %convert_element_type3A, %get3A_16, %dot_general3A {dimension_numbers = #tpu.dot_dimension_numbers<[1], [0], [0], [1], [0, 0, 1, 1], [], []>, transpose_lhs_hint = false} : vector<256x2048xbf16>, vector<2048x2112xbf16>, vector<256x2112xf32> -> vector<256x2112xf32>
    %slice3A = vector.extract_strided_slice %dot_general3A_17 {offsets = [0, 0], sizes = [256, 1536], strides = [1, 1]} : vector<256x2112xf32> to vector<256x1536xf32>
    %get3A_18 = arith.constant 0 : index
    %get3A_19 = arith.constant 0 : index
    %get3A_20 = vector.load %arg3[%get3A_18, %get3A_19] : memref<1x1536xf32, #tpu.memory_space<vmem>>, vector<1x1536xf32>
    %mul3A_21 = arith.mulf %slice3A, %slice3A : vector<256x1536xf32>
    %reduce_sum3A_22 = arith.constant dense<0.000000e+00> : vector<256xf32>
    %reduce_sum3A_23 = vector.multi_reduction <add>, %mul3A_21, %reduce_sum3A_22 [1] : vector<256x1536xf32> to vector<256xf32>
    %broadcast_in_dim3A_24 = vector.shape_cast %reduce_sum3A_23 : vector<256xf32> to vector<256x1xf32>
    %div3A_25 = arith.constant 1.536000e+03 : f32
    %div3A_26 = vector.broadcast %div3A_25 : f32 to vector<256x1xf32>
    %div3A_27 = arith.divf %broadcast_in_dim3A_24, %div3A_26 : vector<256x1xf32>
    %add3A_28 = arith.constant 9.99999997E-7 : f32
    %add3A_29 = vector.broadcast %add3A_28 : f32 to vector<256x1xf32>
    %add3A_30 = arith.addf %div3A_27, %add3A_29 : vector<256x1xf32>
    %rsqrt3A_31 = math.rsqrt %add3A_30 : vector<256x1xf32>
    %mul3A_32 = vector.broadcast %rsqrt3A_31 : vector<256x1xf32> to vector<256x1536xf32>
    %mul3A_33 = arith.mulf %slice3A, %mul3A_32 : vector<256x1536xf32>
    %mul3A_34 = vector.broadcast %get3A_20 : vector<1x1536xf32> to vector<256x1536xf32>
    %mul3A_35 = arith.mulf %mul3A_33, %mul3A_34 : vector<256x1536xf32>
    %convert_element_type3A_36 = arith.truncf %mul3A_35 : vector<256x1536xf32> to vector<256x1536xbf16>
    %swap3A = arith.constant 0 : index
    %swap3A_37 = arith.constant 0 : index
    %swap3A_38 = vector.load %arg7[%swap3A, %swap3A_37] : memref<256x1536xbf16, #tpu.memory_space<vmem>>, vector<256x1536xbf16>
    tpu.vector_store %arg7[%swap3A, %swap3A_37], %convert_element_type3A_36 {strides = array<i32>} : memref<256x1536xbf16, #tpu.memory_space<vmem>>, vector<256x1536xbf16>,
    %slice3A_39 = vector.extract_strided_slice %dot_general3A_17 {offsets = [0, 1536], sizes = [256, 512], strides = [1, 1]} : vector<256x2112xf32> to vector<256x512xf32>
    %get3A_40 = arith.constant 0 : index
    %get3A_41 = arith.constant 0 : index
    %get3A_42 = vector.load %arg4[%get3A_40, %get3A_41] : memref<1x512xf32, #tpu.memory_space<vmem>>, vector<1x512xf32>
    %mul3A_43 = arith.mulf %slice3A_39, %slice3A_39 : vector<256x512xf32>
    %reduce_sum3A_44 = arith.constant dense<0.000000e+00> : vector<256xf32>
    %reduce_sum3A_45 = vector.multi_reduction <add>, %mul3A_43, %reduce_sum3A_44 [1] : vector<256x512xf32> to vector<256xf32>
    %broadcast_in_dim3A_46 = vector.shape_cast %reduce_sum3A_45 : vector<256xf32> to vector<256x1xf32>
    %div3A_47 = arith.constant 5.120000e+02 : f32
    %div3A_48 = vector.broadcast %div3A_47 : f32 to vector<256x1xf32>
    %div3A_49 = arith.divf %broadcast_in_dim3A_46, %div3A_48 : vector<256x1xf32>
    %add3A_50 = arith.constant 9.99999997E-7 : f32
    %add3A_51 = vector.broadcast %add3A_50 : f32 to vector<256x1xf32>
    %add3A_52 = arith.addf %div3A_49, %add3A_51 : vector<256x1xf32>
    %rsqrt3A_53 = math.rsqrt %add3A_52 : vector<256x1xf32>
    %mul3A_54 = vector.broadcast %rsqrt3A_53 : vector<256x1xf32> to vector<256x512xf32>
    %mul3A_55 = arith.mulf %slice3A_39, %mul3A_54 : vector<256x512xf32>
    %mul3A_56 = vector.broadcast %get3A_42 : vector<1x512xf32> to vector<256x512xf32>
    %mul3A_57 = arith.mulf %mul3A_55, %mul3A_56 : vector<256x512xf32>
    %convert_element_type3A_58 = arith.truncf %mul3A_57 : vector<256x512xf32> to vector<256x512xbf16>
    %swap3A_59 = arith.constant 0 : index
    %swap3A_60 = arith.constant 0 : index
    %swap3A_61 = vector.load %arg8[%swap3A_59, %swap3A_60] : memref<256x512xbf16, #tpu.memory_space<vmem>>, vector<256x512xbf16>
    tpu.vector_store %arg8[%swap3A_59, %swap3A_60], %convert_element_type3A_58 {strides = array<i32>} : memref<256x512xbf16, #tpu.memory_space<vmem>>, vector<256x512xbf16>,
    %slice3A_62 = vector.extract_strided_slice %dot_general3A_17 {offsets = [0, 2048], sizes = [256, 64], strides = [1, 1]} : vector<256x2112xf32> to vector<256x64xf32>
    %get3A_63 = arith.constant 0 : index
    %get3A_64 = arith.constant 0 : index
    %get3A_65 = vector.load %arg5[%get3A_63, %get3A_64] : memref<256x64xf32, #tpu.memory_space<vmem>>, vector<256x64xf32>
    %mul3A_66 = arith.mulf %slice3A_62, %get3A_65 : vector<256x64xf32>
    %convert_element_type3A_67 = arith.truncf %mul3A_66 : vector<256x64xf32> to vector<256x64xbf16>
    %swap3A_68 = arith.constant 0 : index
    %swap3A_69 = arith.constant 0 : index
    %swap3A_70 = vector.load %arg9[%swap3A_68, %swap3A_69] : memref<256x64xbf16, #tpu.memory_space<vmem>>, vector<256x64xbf16>
    tpu.vector_store %arg9[%swap3A_68, %swap3A_69], %convert_element_type3A_67 {strides = array<i32>} : memref<256x64xbf16, #tpu.memory_space<vmem>>, vector<256x64xbf16>,
    return
  }
  func.func @transform_0(%arg0: i32) -> (i32, i32) {
    %c0_i32 = arith.constant 0 : i32
    %c0_i32_0 = arith.constant 0 : i32
    return %arg0, %c0_i32 : i32, i32
  }
  func.func @transform_1(%arg0: i32) -> (i32, i32) {
    %c0_i32 = arith.constant 0 : i32
    %c0_i32_0 = arith.constant 0 : i32
    %c0_i32_1 = arith.constant 0 : i32
    return %c0_i32, %c0_i32_0 : i32, i32
  }
  func.func @transform_2(%arg0: i32) -> (i32, i32) {
    %c0_i32 = arith.constant 0 : i32
    %c0_i32_0 = arith.constant 0 : i32
    %c0_i32_1 = arith.constant 0 : i32
    return %c0_i32, %c0_i32_0 : i32, i32
  }
  func.func @transform_3(%arg0: i32) -> (i32, i32) {
    %c0_i32 = arith.constant 0 : i32
    %c0_i32_0 = arith.constant 0 : i32
    %c0_i32_1 = arith.constant 0 : i32
    return %c0_i32, %c0_i32_0 : i32, i32
  }
  func.func @transform_4(%arg0: i32) -> (i32, i32) {
    %c0_i32 = arith.constant 0 : i32
    %c0_i32_0 = arith.constant 0 : i32
    return %arg0, %c0_i32 : i32, i32
  }
  func.func @transform_5(%arg0: i32) -> (i32, i32) {
    %c0_i32 = arith.constant 0 : i32
    %c0_i32_0 = arith.constant 0 : i32
    %c0_i32_1 = arith.constant 0 : i32
    return %c0_i32, %c0_i32_0 : i32, i32
  }
  func.func @transform_6(%arg0: i32) -> (i32, i32) {
    %c0_i32 = arith.constant 0 : i32
    %c0_i32_0 = arith.constant 0 : i32
    return %arg0, %c0_i32 : i32, i32
  }
  func.func @transform_7(%arg0: i32) -> (i32, i32) {
    %c0_i32 = arith.constant 0 : i32
    %c0_i32_0 = arith.constant 0 : i32
    return %arg0, %c0_i32 : i32, i32
  }
  func.func @transform_8(%arg0: i32) -> (i32, i32) {
    %c0_i32 = arith.constant 0 : i32
    %c0_i32_0 = arith.constant 0 : i32
    return %arg0, %c0_i32 : i32, i32
  }
}

module attributes {stable_mosaic.version = 14 : i64} {
  func.func @_up_kernel(%arg0: i32, %arg1: i32, %arg2: memref<256x1536xbf16, #tpu.memory_space<vmem>>, %arg3: memref<256x512xbf16, #tpu.memory_space<vmem>>, %arg4: memref<256x64xbf16, #tpu.memory_space<vmem>>, %arg5: memref<256x192xf32, #tpu.memory_space<vmem>>, %arg6: memref<1x1536x192xbf16, #tpu.memory_space<vmem>>, %arg7: memref<1x512x256xbf16, #tpu.memory_space<vmem>>, %arg8: memref<1x256x192xbf16, #tpu.memory_space<vmem>>, %arg9: memref<1x256x192xbf16, #tpu.memory_space<vmem>>, %arg10: memref<1x256x128xbf16, #tpu.memory_space<vmem>>) attributes {dimension_semantics = [#tpu.dimension_semantics<arbitrary>, #tpu.dimension_semantics<arbitrary>], iteration_bounds = array<i64: 16, 8>, scalar_prefetch = 0 : i64, scratch_operands = 0 : i64, tpu.core_type = #tpu.core_type<tc>, window_params = [{transform_indices = @transform_0, window_bounds = array<i64: 256, 1536>}, {transform_indices = @transform_1, window_bounds = array<i64: 256, 512>}, {transform_indices = @transform_2, window_bounds = array<i64: 256, 64>}, {transform_indices = @transform_3, window_bounds = array<i64: 256, 192>}, {transform_indices = @transform_4, window_bounds = array<i64: 1, 1536, 192>}, {transform_indices = @transform_5, window_bounds = array<i64: 1, 512, 256>}, {transform_indices = @transform_6, window_bounds = array<i64: 1, 256, 192>}, {transform_indices = @transform_7, window_bounds = array<i64: 1, 256, 192>}, {transform_indices = @transform_8, window_bounds = array<i64: 1, 256, 128>}]} {
    %get3A = arith.constant 0 : index
    %get3A_0 = arith.constant 0 : index
    %get3A_1 = vector.load %arg2[%get3A, %get3A_0] : memref<256x1536xbf16, #tpu.memory_space<vmem>>, vector<256x1536xbf16>
    %get3A_2 = arith.constant 0 : index
    %get3A_3 = arith.constant 0 : index
    %get3A_4 = arith.constant 0 : index
    %get3A_5 = vector.load %arg6[%get3A_2, %get3A_3, %get3A_4] : memref<1x1536x192xbf16, #tpu.memory_space<vmem>>, vector<1x1536x192xbf16>
    %get3A_6 = vector.shape_cast %get3A_5 : vector<1x1536x192xbf16> to vector<1536x192xbf16>
    %dot_general3A = arith.constant dense<0.000000e+00> : vector<256x192xf32>
    %dot_general3A_7 = tpu.matmul %get3A_1, %get3A_6, %dot_general3A {dimension_numbers = #tpu.dot_dimension_numbers<[1], [0], [0], [1], [0, 0, 1, 1], [], []>, transpose_lhs_hint = false} : vector<256x1536xbf16>, vector<1536x192xbf16>, vector<256x192xf32> -> vector<256x192xf32>
    %get3A_8 = arith.constant 0 : index
    %get3A_9 = arith.constant 0 : index
    %get3A_10 = vector.load %arg5[%get3A_8, %get3A_9] : memref<256x192xf32, #tpu.memory_space<vmem>>, vector<256x192xf32>
    %mul3A = arith.mulf %dot_general3A_7, %get3A_10 : vector<256x192xf32>
    %convert_element_type3A = arith.truncf %mul3A : vector<256x192xf32> to vector<256x192xbf16>
    %swap3A = arith.constant 0 : index
    %swap3A_11 = arith.constant 0 : index
    %swap3A_12 = arith.constant 0 : index
    %swap3A_13 = vector.load %arg8[%swap3A, %swap3A_11, %swap3A_12] : memref<1x256x192xbf16, #tpu.memory_space<vmem>>, vector<1x256x192xbf16>
    %swap3A_14 = vector.shape_cast %swap3A_13 : vector<1x256x192xbf16> to vector<256x192xbf16>
    %swap3A_15 = vector.shape_cast %convert_element_type3A : vector<256x192xbf16> to vector<1x256x192xbf16>
    tpu.vector_store %arg8[%swap3A, %swap3A_11, %swap3A_12], %swap3A_15 {strides = array<i32>} : memref<1x256x192xbf16, #tpu.memory_space<vmem>>, vector<1x256x192xbf16>,
    %get3A_16 = arith.constant 0 : index
    %get3A_17 = arith.constant 0 : index
    %get3A_18 = vector.load %arg3[%get3A_16, %get3A_17] : memref<256x512xbf16, #tpu.memory_space<vmem>>, vector<256x512xbf16>
    %get3A_19 = arith.constant 0 : index
    %get3A_20 = arith.constant 0 : index
    %get3A_21 = arith.constant 0 : index
    %get3A_22 = vector.load %arg7[%get3A_19, %get3A_20, %get3A_21] : memref<1x512x256xbf16, #tpu.memory_space<vmem>>, vector<1x512x256xbf16>
    %get3A_23 = vector.shape_cast %get3A_22 : vector<1x512x256xbf16> to vector<512x256xbf16>
    %dot_general3A_24 = arith.constant dense<0.000000e+00> : vector<256x256xf32>
    %dot_general3A_25 = tpu.matmul %get3A_18, %get3A_23, %dot_general3A_24 {dimension_numbers = #tpu.dot_dimension_numbers<[1], [0], [0], [1], [0, 0, 1, 1], [], []>, transpose_lhs_hint = false} : vector<256x512xbf16>, vector<512x256xbf16>, vector<256x256xf32> -> vector<256x256xf32>
    %slice3A = vector.extract_strided_slice %dot_general3A_25 {offsets = [0, 0], sizes = [256, 128], strides = [1, 1]} : vector<256x256xf32> to vector<256x128xf32>
    %convert_element_type3A_26 = arith.truncf %slice3A : vector<256x128xf32> to vector<256x128xbf16>
    %get3A_27 = arith.constant 0 : index
    %get3A_28 = arith.constant 0 : index
    %get3A_29 = vector.load %arg4[%get3A_27, %get3A_28] : memref<256x64xbf16, #tpu.memory_space<vmem>>, vector<256x64xbf16>
    %concatenate3A = tpu.concatenate %convert_element_type3A_26, %get3A_29 in 1 : vector<256x128xbf16>, vector<256x64xbf16> -> vector<256x192xbf16>
    %swap3A_30 = arith.constant 0 : index
    %swap3A_31 = arith.constant 0 : index
    %swap3A_32 = arith.constant 0 : index
    %swap3A_33 = vector.load %arg9[%swap3A_30, %swap3A_31, %swap3A_32] : memref<1x256x192xbf16, #tpu.memory_space<vmem>>, vector<1x256x192xbf16>
    %swap3A_34 = vector.shape_cast %swap3A_33 : vector<1x256x192xbf16> to vector<256x192xbf16>
    %swap3A_35 = vector.shape_cast %concatenate3A : vector<256x192xbf16> to vector<1x256x192xbf16>
    tpu.vector_store %arg9[%swap3A_30, %swap3A_31, %swap3A_32], %swap3A_35 {strides = array<i32>} : memref<1x256x192xbf16, #tpu.memory_space<vmem>>, vector<1x256x192xbf16>,
    %slice3A_36 = vector.extract_strided_slice %dot_general3A_25 {offsets = [0, 128], sizes = [256, 128], strides = [1, 1]} : vector<256x256xf32> to vector<256x128xf32>
    %convert_element_type3A_37 = arith.truncf %slice3A_36 : vector<256x128xf32> to vector<256x128xbf16>
    %swap3A_38 = arith.constant 0 : index
    %swap3A_39 = arith.constant 0 : index
    %swap3A_40 = arith.constant 0 : index
    %swap3A_41 = vector.load %arg10[%swap3A_38, %swap3A_39, %swap3A_40] : memref<1x256x128xbf16, #tpu.memory_space<vmem>>, vector<1x256x128xbf16>
    %swap3A_42 = vector.shape_cast %swap3A_41 : vector<1x256x128xbf16> to vector<256x128xbf16>
    %swap3A_43 = vector.shape_cast %convert_element_type3A_37 : vector<256x128xbf16> to vector<1x256x128xbf16>
    tpu.vector_store %arg10[%swap3A_38, %swap3A_39, %swap3A_40], %swap3A_43 {strides = array<i32>} : memref<1x256x128xbf16, #tpu.memory_space<vmem>>, vector<1x256x128xbf16>,
    return
  }
  func.func @transform_0(%arg0: i32, %arg1: i32) -> (i32, i32) {
    %c0_i32 = arith.constant 0 : i32
    %c0_i32_0 = arith.constant 0 : i32
    return %arg1, %c0_i32 : i32, i32
  }
  func.func @transform_1(%arg0: i32, %arg1: i32) -> (i32, i32) {
    %c0_i32 = arith.constant 0 : i32
    %c0_i32_0 = arith.constant 0 : i32
    return %arg1, %c0_i32 : i32, i32
  }
  func.func @transform_2(%arg0: i32, %arg1: i32) -> (i32, i32) {
    %c0_i32 = arith.constant 0 : i32
    %c0_i32_0 = arith.constant 0 : i32
    return %arg1, %c0_i32 : i32, i32
  }
  func.func @transform_3(%arg0: i32, %arg1: i32) -> (i32, i32) {
    %c0_i32 = arith.constant 0 : i32
    %c0_i32_0 = arith.constant 0 : i32
    return %arg1, %c0_i32 : i32, i32
  }
  func.func @transform_4(%arg0: i32, %arg1: i32) -> (i32, i32, i32) {
    %c0_i32 = arith.constant 0 : i32
    %c0_i32_0 = arith.constant 0 : i32
    %c0_i32_1 = arith.constant 0 : i32
    return %arg0, %c0_i32, %c0_i32_0 : i32, i32, i32
  }
  func.func @transform_5(%arg0: i32, %arg1: i32) -> (i32, i32, i32) {
    %c0_i32 = arith.constant 0 : i32
    %c0_i32_0 = arith.constant 0 : i32
    %c0_i32_1 = arith.constant 0 : i32
    return %arg0, %c0_i32, %c0_i32_0 : i32, i32, i32
  }
  func.func @transform_6(%arg0: i32, %arg1: i32) -> (i32, i32, i32) {
    %c0_i32 = arith.constant 0 : i32
    %c0_i32_0 = arith.constant 0 : i32
    return %arg0, %arg1, %c0_i32 : i32, i32, i32
  }
  func.func @transform_7(%arg0: i32, %arg1: i32) -> (i32, i32, i32) {
    %c0_i32 = arith.constant 0 : i32
    %c0_i32_0 = arith.constant 0 : i32
    return %arg0, %arg1, %c0_i32 : i32, i32, i32
  }
  func.func @transform_8(%arg0: i32, %arg1: i32) -> (i32, i32, i32) {
    %c0_i32 = arith.constant 0 : i32
    %c0_i32_0 = arith.constant 0 : i32
    return %arg0, %arg1, %c0_i32 : i32, i32, i32
  }
}

module attributes {stable_mosaic.version = 14 : i64} {
  func.func @_att_kernel(%arg0: i32, %arg1: i32, %arg2: memref<1x512x192xbf16, #tpu.memory_space<vmem>>, %arg3: memref<1x2048x192xbf16, #tpu.memory_space<vmem>>, %arg4: memref<1x2048x128xbf16, #tpu.memory_space<vmem>>, %arg5: memref<512x128xbf16, #tpu.memory_space<vmem>>) attributes {dimension_semantics = [#tpu.dimension_semantics<arbitrary>, #tpu.dimension_semantics<arbitrary>], iteration_bounds = array<i64: 16, 4>, scalar_prefetch = 0 : i64, scratch_operands = 0 : i64, tpu.core_type = #tpu.core_type<tc>, window_params = [{transform_indices = @transform_0, window_bounds = array<i64: 1, 512, 192>}, {transform_indices = @transform_1, window_bounds = array<i64: 1, 2048, 192>}, {transform_indices = @transform_2, window_bounds = array<i64: 1, 2048, 128>}, {transform_indices = @transform_3, window_bounds = array<i64: 512, 128>}]} {
    %get3A = arith.constant 0 : index
    %get3A_0 = arith.constant 0 : index
    %get3A_1 = arith.constant 0 : index
    %get3A_2 = vector.load %arg2[%get3A, %get3A_0, %get3A_1] : memref<1x512x192xbf16, #tpu.memory_space<vmem>>, vector<1x512x192xbf16>
    %get3A_3 = vector.shape_cast %get3A_2 : vector<1x512x192xbf16> to vector<512x192xbf16>
    %mul3A = arith.constant 512 : i32
    %mul3A_4 = arith.muli %arg1, %mul3A : i32
    %iota3A = tpu.iota {dimensions = array<i32: 0>} : vector<512x512xi32>
    %add3A = vector.broadcast %mul3A_4 : i32 to vector<512x512xi32>
    %add3A_5 = arith.addi %add3A, %iota3A : vector<512x512xi32>
    %broadcast_in_dim3A = arith.constant -1.000000e+30 : f32
    %broadcast_in_dim3A_6 = vector.broadcast %broadcast_in_dim3A : f32 to vector<512x1xf32>
    %broadcast_in_dim3A_7 = arith.constant 0.000000e+00 : f32
    %broadcast_in_dim3A_8 = vector.broadcast %broadcast_in_dim3A_7 : f32 to vector<512x1xf32>
    %broadcast_in_dim3A_9 = arith.constant 0.000000e+00 : f32
    %broadcast_in_dim3A_10 = vector.broadcast %broadcast_in_dim3A_9 : f32 to vector<512x128xf32>
    %mul3A_11 = arith.constant 512 : i32
    %mul3A_12 = arith.muli %arg1, %mul3A_11 : i32
    %add3A_13 = arith.constant 512 : i32
    %add3A_14 = arith.addi %mul3A_12, %add3A_13 : i32
    %add3A_15 = arith.constant 512 : i32
    %add3A_16 = arith.addi %add3A_14, %add3A_15 : i32
    %sub3A = arith.constant 1 : i32
    %sub3A_17 = arith.subi %add3A_16, %sub3A : i32
    %jit3A = arith.constant 512 : i32
    %div3A = arith.divsi %sub3A_17, %jit3A : i32
    %sign3A = arith.constant 0 : i32
    %sign3A_18 = arith.cmpi sgt, %sub3A_17, %sign3A : i32
    %sign3A_19 = arith.extui %sign3A_18 : i1 to i32
    %sign3A_20 = arith.constant 0 : i32
    %sign3A_21 = arith.cmpi slt, %sub3A_17, %sign3A_20 : i32
    %sign3A_22 = arith.extui %sign3A_21 : i1 to i32
    %sign3A_23 = arith.subi %sign3A_19, %sign3A_22 : i32
    %sign3A_24 = arith.constant 0 : i32
    %sign3A_25 = arith.cmpi sgt, %jit3A, %sign3A_24 : i32
    %sign3A_26 = arith.extui %sign3A_25 : i1 to i32
    %sign3A_27 = arith.constant 0 : i32
    %sign3A_28 = arith.cmpi slt, %jit3A, %sign3A_27 : i32
    %sign3A_29 = arith.extui %sign3A_28 : i1 to i32
    %sign3A_30 = arith.subi %sign3A_26, %sign3A_29 : i32
    %ne3A = arith.cmpi ne, %sign3A_23, %sign3A_30 : i32
    %rem3A = arith.remsi %sub3A_17, %jit3A : i32
    %ne3A_31 = arith.constant 0 : i32
    %ne3A_32 = arith.cmpi ne, %rem3A, %ne3A_31 : i32
    %and3A = arith.andi %ne3A, %ne3A_32 : i1
    %sub3A_33 = arith.constant 1 : i32
    %sub3A_34 = arith.subi %div3A, %sub3A_33 : i32
    %select_n3A = arith.select %and3A, %sub3A_34, %div3A : i32
    %while3A = arith.constant 0 : i32
    %while3A_35 = arith.subi %select_n3A, %while3A : i32
    %while3A_36 = arith.addi %while3A, %while3A_35 : i32
    %while3A_37 = arith.constant 1 : i32
    %while3A_38 = arith.divsi %while3A_35, %while3A_37 : i32
    %while3A_39 = arith.muli %while3A_38, %while3A_37 : i32
    %while3A_40 = arith.addi %while3A, %while3A_39 : i32
    %while3A_41 = arith.constant 1 : i32
    %while3A_42:3 = scf.for %while3A_49 = %while3A to %while3A_40 step %while3A_41 iter_args(%while3A_50 = %broadcast_in_dim3A_6, %while3A_51 = %broadcast_in_dim3A_8, %while3A_52 = %broadcast_in_dim3A_10) -> (vector<512x1xf32>, vector<512x1xf32>, vector<512x128xf32>)  : i32 {
      %mul3A_53 = arith.constant 512 : i32
      %mul3A_54 = arith.muli %while3A_49, %mul3A_53 : i32
      %get3A_55 = arith.constant 0 : index
      %get3A_56 = arith.index_cast %mul3A_54 : i32 to index
      %get3A_57 = arith.constant 0 : index
      %get3A_58 = vector.load %arg3[%get3A_55, %get3A_56, %get3A_57] : memref<1x2048x192xbf16, #tpu.memory_space<vmem>>, vector<1x512x192xbf16>
      %get3A_59 = vector.shape_cast %get3A_58 : vector<1x512x192xbf16> to vector<512x192xbf16>
      %mul3A_60 = arith.constant 512 : i32
      %mul3A_61 = arith.muli %while3A_49, %mul3A_60 : i32
      %get3A_62 = arith.constant 0 : index
      %get3A_63 = arith.index_cast %mul3A_61 : i32 to index
      %get3A_64 = arith.constant 0 : index
      %get3A_65 = vector.load %arg4[%get3A_62, %get3A_63, %get3A_64] : memref<1x2048x128xbf16, #tpu.memory_space<vmem>>, vector<1x512x128xbf16>
      %get3A_66 = vector.shape_cast %get3A_65 : vector<1x512x128xbf16> to vector<512x128xbf16>
      %dot_general3A = arith.constant dense<0.000000e+00> : vector<512x512xf32>
      %dot_general3A_67 = tpu.matmul %get3A_3, %get3A_59, %dot_general3A {dimension_numbers = #tpu.dot_dimension_numbers<[1], [1], [0], [0], [0, 0, 1, 0], [], []>, transpose_lhs_hint = false} : vector<512x192xbf16>, vector<512x192xbf16>, vector<512x512xf32> -> vector<512x512xf32>
      %mul3A_68 = arith.constant 0.0721687824 : f32
      %mul3A_69 = vector.broadcast %mul3A_68 : f32 to vector<512x512xf32>
      %mul3A_70 = arith.mulf %dot_general3A_67, %mul3A_69 : vector<512x512xf32>
      %mul3A_71 = arith.constant 512 : i32
      %mul3A_72 = arith.muli %while3A_49, %mul3A_71 : i32
      %iota3A_73 = tpu.iota {dimensions = array<i32: 1>} : vector<512x512xi32>
      %add3A_74 = vector.broadcast %mul3A_72 : i32 to vector<512x512xi32>
      %add3A_75 = arith.addi %add3A_74, %iota3A_73 : vector<512x512xi32>
      %ge3A = arith.cmpi sge, %add3A_5, %add3A_75 : vector<512x512xi32>
      %jit3A_76 = arith.constant -1.000000e+30 : f32
      %broadcast_in_dim3A_77 = vector.broadcast %jit3A_76 : f32 to vector<512x512xf32>
      %select_n3A_78 = arith.select %ge3A, %mul3A_70, %broadcast_in_dim3A_77 : vector<512x512xi1>, vector<512x512xf32>
      %reduce_max3A = arith.constant dense<0xFF800000> : vector<512xf32>
      %reduce_max3A_79 = vector.multi_reduction <maximumf>, %select_n3A_78, %reduce_max3A [1] : vector<512x512xf32> to vector<512xf32>
      %broadcast_in_dim3A_80 = vector.shape_cast %reduce_max3A_79 : vector<512xf32> to vector<512x1xf32>
      %max3A = arith.maximumf %while3A_50, %broadcast_in_dim3A_80 : vector<512x1xf32>
      %sub3A_81 = vector.broadcast %max3A : vector<512x1xf32> to vector<512x512xf32>
      %sub3A_82 = arith.subf %select_n3A_78, %sub3A_81 : vector<512x512xf32>
      %exp3A = math.exp %sub3A_82 : vector<512x512xf32>
      %sub3A_83 = arith.subf %while3A_50, %max3A : vector<512x1xf32>
      %exp3A_84 = math.exp %sub3A_83 : vector<512x1xf32>
      %mul3A_85 = arith.mulf %while3A_51, %exp3A_84 : vector<512x1xf32>
      %reduce_sum3A = arith.constant dense<0.000000e+00> : vector<512xf32>
      %reduce_sum3A_86 = vector.multi_reduction <add>, %exp3A, %reduce_sum3A [1] : vector<512x512xf32> to vector<512xf32>
      %broadcast_in_dim3A_87 = vector.shape_cast %reduce_sum3A_86 : vector<512xf32> to vector<512x1xf32>
      %add3A_88 = arith.addf %mul3A_85, %broadcast_in_dim3A_87 : vector<512x1xf32>
      %mul3A_89 = vector.broadcast %exp3A_84 : vector<512x1xf32> to vector<512x128xf32>
      %mul3A_90 = arith.mulf %while3A_52, %mul3A_89 : vector<512x128xf32>
      %convert_element_type3A_91 = arith.truncf %exp3A : vector<512x512xf32> to vector<512x512xbf16>
      %dot_general3A_92 = arith.constant dense<0.000000e+00> : vector<512x128xf32>
      %dot_general3A_93 = tpu.matmul %convert_element_type3A_91, %get3A_66, %dot_general3A_92 {dimension_numbers = #tpu.dot_dimension_numbers<[1], [0], [0], [1], [0, 0, 1, 1], [], []>, transpose_lhs_hint = false} : vector<512x512xbf16>, vector<512x128xbf16>, vector<512x128xf32> -> vector<512x128xf32>
      %add3A_94 = arith.addf %mul3A_90, %dot_general3A_93 : vector<512x128xf32>
      scf.yield %max3A, %add3A_88, %add3A_94 : vector<512x1xf32>, vector<512x1xf32>, vector<512x128xf32>
    }
    %while3A_43 = arith.constant 1 : i32
    %while3A_44:3 = scf.for %while3A_49 = %while3A_40 to %while3A_36 step %while3A_43 iter_args(%while3A_50 = %while3A_42#0, %while3A_51 = %while3A_42#1, %while3A_52 = %while3A_42#2) -> (vector<512x1xf32>, vector<512x1xf32>, vector<512x128xf32>)  : i32 {
      %mul3A_53 = arith.constant 512 : i32
      %mul3A_54 = arith.muli %while3A_49, %mul3A_53 : i32
      %get3A_55 = arith.constant 0 : index
      %get3A_56 = arith.index_cast %mul3A_54 : i32 to index
      %get3A_57 = arith.constant 0 : index
      %get3A_58 = vector.load %arg3[%get3A_55, %get3A_56, %get3A_57] : memref<1x2048x192xbf16, #tpu.memory_space<vmem>>, vector<1x512x192xbf16>
      %get3A_59 = vector.shape_cast %get3A_58 : vector<1x512x192xbf16> to vector<512x192xbf16>
      %mul3A_60 = arith.constant 512 : i32
      %mul3A_61 = arith.muli %while3A_49, %mul3A_60 : i32
      %get3A_62 = arith.constant 0 : index
      %get3A_63 = arith.index_cast %mul3A_61 : i32 to index
      %get3A_64 = arith.constant 0 : index
      %get3A_65 = vector.load %arg4[%get3A_62, %get3A_63, %get3A_64] : memref<1x2048x128xbf16, #tpu.memory_space<vmem>>, vector<1x512x128xbf16>
      %get3A_66 = vector.shape_cast %get3A_65 : vector<1x512x128xbf16> to vector<512x128xbf16>
      %dot_general3A = arith.constant dense<0.000000e+00> : vector<512x512xf32>
      %dot_general3A_67 = tpu.matmul %get3A_3, %get3A_59, %dot_general3A {dimension_numbers = #tpu.dot_dimension_numbers<[1], [1], [0], [0], [0, 0, 1, 0], [], []>, transpose_lhs_hint = false} : vector<512x192xbf16>, vector<512x192xbf16>, vector<512x512xf32> -> vector<512x512xf32>
      %mul3A_68 = arith.constant 0.0721687824 : f32
      %mul3A_69 = vector.broadcast %mul3A_68 : f32 to vector<512x512xf32>
      %mul3A_70 = arith.mulf %dot_general3A_67, %mul3A_69 : vector<512x512xf32>
      %mul3A_71 = arith.constant 512 : i32
      %mul3A_72 = arith.muli %while3A_49, %mul3A_71 : i32
      %iota3A_73 = tpu.iota {dimensions = array<i32: 1>} : vector<512x512xi32>
      %add3A_74 = vector.broadcast %mul3A_72 : i32 to vector<512x512xi32>
      %add3A_75 = arith.addi %add3A_74, %iota3A_73 : vector<512x512xi32>
      %ge3A = arith.cmpi sge, %add3A_5, %add3A_75 : vector<512x512xi32>
      %jit3A_76 = arith.constant -1.000000e+30 : f32
      %broadcast_in_dim3A_77 = vector.broadcast %jit3A_76 : f32 to vector<512x512xf32>
      %select_n3A_78 = arith.select %ge3A, %mul3A_70, %broadcast_in_dim3A_77 : vector<512x512xi1>, vector<512x512xf32>
      %reduce_max3A = arith.constant dense<0xFF800000> : vector<512xf32>
      %reduce_max3A_79 = vector.multi_reduction <maximumf>, %select_n3A_78, %reduce_max3A [1] : vector<512x512xf32> to vector<512xf32>
      %broadcast_in_dim3A_80 = vector.shape_cast %reduce_max3A_79 : vector<512xf32> to vector<512x1xf32>
      %max3A = arith.maximumf %while3A_50, %broadcast_in_dim3A_80 : vector<512x1xf32>
      %sub3A_81 = vector.broadcast %max3A : vector<512x1xf32> to vector<512x512xf32>
      %sub3A_82 = arith.subf %select_n3A_78, %sub3A_81 : vector<512x512xf32>
      %exp3A = math.exp %sub3A_82 : vector<512x512xf32>
      %sub3A_83 = arith.subf %while3A_50, %max3A : vector<512x1xf32>
      %exp3A_84 = math.exp %sub3A_83 : vector<512x1xf32>
      %mul3A_85 = arith.mulf %while3A_51, %exp3A_84 : vector<512x1xf32>
      %reduce_sum3A = arith.constant dense<0.000000e+00> : vector<512xf32>
      %reduce_sum3A_86 = vector.multi_reduction <add>, %exp3A, %reduce_sum3A [1] : vector<512x512xf32> to vector<512xf32>
      %broadcast_in_dim3A_87 = vector.shape_cast %reduce_sum3A_86 : vector<512xf32> to vector<512x1xf32>
      %add3A_88 = arith.addf %mul3A_85, %broadcast_in_dim3A_87 : vector<512x1xf32>
      %mul3A_89 = vector.broadcast %exp3A_84 : vector<512x1xf32> to vector<512x128xf32>
      %mul3A_90 = arith.mulf %while3A_52, %mul3A_89 : vector<512x128xf32>
      %convert_element_type3A_91 = arith.truncf %exp3A : vector<512x512xf32> to vector<512x512xbf16>
      %dot_general3A_92 = arith.constant dense<0.000000e+00> : vector<512x128xf32>
      %dot_general3A_93 = tpu.matmul %convert_element_type3A_91, %get3A_66, %dot_general3A_92 {dimension_numbers = #tpu.dot_dimension_numbers<[1], [0], [0], [1], [0, 0, 1, 1], [], []>, transpose_lhs_hint = false} : vector<512x512xbf16>, vector<512x128xbf16>, vector<512x128xf32> -> vector<512x128xf32>
      %add3A_94 = arith.addf %mul3A_90, %dot_general3A_93 : vector<512x128xf32>
      scf.yield %max3A, %add3A_88, %add3A_94 : vector<512x1xf32>, vector<512x1xf32>, vector<512x128xf32>
    }
    %div3A_45 = vector.broadcast %while3A_44#1 : vector<512x1xf32> to vector<512x128xf32>
    %div3A_46 = arith.divf %while3A_44#2, %div3A_45 : vector<512x128xf32>
    %convert_element_type3A = arith.truncf %div3A_46 : vector<512x128xf32> to vector<512x128xbf16>
    %swap3A = arith.constant 0 : index
    %swap3A_47 = arith.constant 0 : index
    %swap3A_48 = vector.load %arg5[%swap3A, %swap3A_47] : memref<512x128xbf16, #tpu.memory_space<vmem>>, vector<512x128xbf16>
    tpu.vector_store %arg5[%swap3A, %swap3A_47], %convert_element_type3A {strides = array<i32>} : memref<512x128xbf16, #tpu.memory_space<vmem>>, vector<512x128xbf16>,
    return
  }
  func.func @transform_0(%arg0: i32, %arg1: i32) -> (i32, i32, i32) {
    %c0_i32 = arith.constant 0 : i32
    %c0_i32_0 = arith.constant 0 : i32
    return %arg0, %arg1, %c0_i32 : i32, i32, i32
  }
  func.func @transform_1(%arg0: i32, %arg1: i32) -> (i32, i32, i32) {
    %c0_i32 = arith.constant 0 : i32
    %c0_i32_0 = arith.constant 0 : i32
    %c0_i32_1 = arith.constant 0 : i32
    return %arg0, %c0_i32, %c0_i32_0 : i32, i32, i32
  }
  func.func @transform_2(%arg0: i32, %arg1: i32) -> (i32, i32, i32) {
    %c0_i32 = arith.constant 0 : i32
    %c0_i32_0 = arith.constant 0 : i32
    %c0_i32_1 = arith.constant 0 : i32
    return %arg0, %c0_i32, %c0_i32_0 : i32, i32, i32
  }
  func.func @transform_3(%arg0: i32, %arg1: i32) -> (i32, i32) {
    %c0_i32 = arith.constant 0 : i32
    return %arg1, %arg0 : i32, i32
  }
}

module attributes {stable_mosaic.version = 14 : i64} {
  func.func @_cproj_kernel(%arg0: i32, %arg1: memref<256x2048xbf16, #tpu.memory_space<vmem>>, %arg2: memref<256x2048xf32, #tpu.memory_space<vmem>>, %arg3: memref<1x2048xf32, #tpu.memory_space<vmem>>, %arg4: memref<2048x2048xbf16, #tpu.memory_space<vmem>>, %arg5: memref<2048x8xf32, #tpu.memory_space<vmem>>, %arg6: memref<256x2048xf32, #tpu.memory_space<vmem>>, %arg7: memref<256x2048xbf16, #tpu.memory_space<vmem>>, %arg8: memref<256x8xf32, #tpu.memory_space<vmem>>) attributes {dimension_semantics = [#tpu.dimension_semantics<arbitrary>], iteration_bounds = array<i64: 8>, scalar_prefetch = 0 : i64, scratch_operands = 0 : i64, tpu.core_type = #tpu.core_type<tc>, window_params = [{transform_indices = @transform_0, window_bounds = array<i64: 256, 2048>}, {transform_indices = @transform_1, window_bounds = array<i64: 256, 2048>}, {pipeline_mode = #tpu.pipeline_mode<synchronous>, transform_indices = @transform_2, window_bounds = array<i64: 1, 2048>}, {pipeline_mode = #tpu.pipeline_mode<synchronous>, transform_indices = @transform_3, window_bounds = array<i64: 2048, 2048>}, {pipeline_mode = #tpu.pipeline_mode<synchronous>, transform_indices = @transform_4, window_bounds = array<i64: 2048, 8>}, {transform_indices = @transform_5, window_bounds = array<i64: 256, 2048>}, {transform_indices = @transform_6, window_bounds = array<i64: 256, 2048>}, {transform_indices = @transform_7, window_bounds = array<i64: 256, 8>}]} {
    %get3A = arith.constant 0 : index
    %get3A_0 = arith.constant 0 : index
    %get3A_1 = vector.load %arg2[%get3A, %get3A_0] : memref<256x2048xf32, #tpu.memory_space<vmem>>, vector<256x2048xf32>
    %get3A_2 = arith.constant 0 : index
    %get3A_3 = arith.constant 0 : index
    %get3A_4 = vector.load %arg1[%get3A_2, %get3A_3] : memref<256x2048xbf16, #tpu.memory_space<vmem>>, vector<256x2048xbf16>
    %get3A_5 = arith.constant 0 : index
    %get3A_6 = arith.constant 0 : index
    %get3A_7 = vector.load %arg4[%get3A_5, %get3A_6] : memref<2048x2048xbf16, #tpu.memory_space<vmem>>, vector<2048x2048xbf16>
    %dot_general3A = arith.constant dense<0.000000e+00> : vector<256x2048xf32>
    %dot_general3A_8 = tpu.matmul %get3A_4, %get3A_7, %dot_general3A {dimension_numbers = #tpu.dot_dimension_numbers<[1], [0], [0], [1], [0, 0, 1, 1], [], []>, transpose_lhs_hint = false} : vector<256x2048xbf16>, vector<2048x2048xbf16>, vector<256x2048xf32> -> vector<256x2048xf32>
    %add3A = arith.addf %get3A_1, %dot_general3A_8 : vector<256x2048xf32>
    %swap3A = arith.constant 0 : index
    %swap3A_9 = arith.constant 0 : index
    %swap3A_10 = vector.load %arg6[%swap3A, %swap3A_9] : memref<256x2048xf32, #tpu.memory_space<vmem>>, vector<256x2048xf32>
    tpu.vector_store %arg6[%swap3A, %swap3A_9], %add3A {strides = array<i32>} : memref<256x2048xf32, #tpu.memory_space<vmem>>, vector<256x2048xf32>,
    %get3A_11 = arith.constant 0 : index
    %get3A_12 = arith.constant 0 : index
    %get3A_13 = vector.load %arg3[%get3A_11, %get3A_12] : memref<1x2048xf32, #tpu.memory_space<vmem>>, vector<1x2048xf32>
    %mul3A = arith.mulf %add3A, %add3A : vector<256x2048xf32>
    %reduce_sum3A = arith.constant dense<0.000000e+00> : vector<256xf32>
    %reduce_sum3A_14 = vector.multi_reduction <add>, %mul3A, %reduce_sum3A [1] : vector<256x2048xf32> to vector<256xf32>
    %broadcast_in_dim3A = vector.shape_cast %reduce_sum3A_14 : vector<256xf32> to vector<256x1xf32>
    %div3A = arith.constant 2.048000e+03 : f32
    %div3A_15 = vector.broadcast %div3A : f32 to vector<256x1xf32>
    %div3A_16 = arith.divf %broadcast_in_dim3A, %div3A_15 : vector<256x1xf32>
    %add3A_17 = arith.constant 9.99999997E-7 : f32
    %add3A_18 = vector.broadcast %add3A_17 : f32 to vector<256x1xf32>
    %add3A_19 = arith.addf %div3A_16, %add3A_18 : vector<256x1xf32>
    %rsqrt3A = math.rsqrt %add3A_19 : vector<256x1xf32>
    %mul3A_20 = vector.broadcast %rsqrt3A : vector<256x1xf32> to vector<256x2048xf32>
    %mul3A_21 = arith.mulf %add3A, %mul3A_20 : vector<256x2048xf32>
    %mul3A_22 = vector.broadcast %get3A_13 : vector<1x2048xf32> to vector<256x2048xf32>
    %mul3A_23 = arith.mulf %mul3A_21, %mul3A_22 : vector<256x2048xf32>
    %convert_element_type3A = arith.truncf %mul3A_23 : vector<256x2048xf32> to vector<256x2048xbf16>
    %swap3A_24 = arith.constant 0 : index
    %swap3A_25 = arith.constant 0 : index
    %swap3A_26 = vector.load %arg7[%swap3A_24, %swap3A_25] : memref<256x2048xbf16, #tpu.memory_space<vmem>>, vector<256x2048xbf16>
    tpu.vector_store %arg7[%swap3A_24, %swap3A_25], %convert_element_type3A {strides = array<i32>} : memref<256x2048xbf16, #tpu.memory_space<vmem>>, vector<256x2048xbf16>,
    %get3A_27 = arith.constant 0 : index
    %get3A_28 = arith.constant 0 : index
    %get3A_29 = vector.load %arg5[%get3A_27, %get3A_28] : memref<2048x8xf32, #tpu.memory_space<vmem>>, vector<2048x8xf32>
    %dot_general3A_30 = arith.constant dense<0.000000e+00> : vector<256x8xf32>
    %dot_general3A_31 = tpu.matmul %mul3A_23, %get3A_29, %dot_general3A_30 {dimension_numbers = #tpu.dot_dimension_numbers<[1], [0], [0], [1], [0, 0, 1, 1], [], []>, transpose_lhs_hint = false} : vector<256x2048xf32>, vector<2048x8xf32>, vector<256x8xf32> -> vector<256x8xf32>
    %reduce_max3A = arith.constant dense<0xFF800000> : vector<256xf32>
    %reduce_max3A_32 = vector.multi_reduction <maximumf>, %dot_general3A_31, %reduce_max3A [1] : vector<256x8xf32> to vector<256xf32>
    %broadcast_in_dim3A_33 = vector.shape_cast %reduce_max3A_32 : vector<256xf32> to vector<256x1xf32>
    %sub3A = vector.broadcast %broadcast_in_dim3A_33 : vector<256x1xf32> to vector<256x8xf32>
    %sub3A_34 = arith.subf %dot_general3A_31, %sub3A : vector<256x8xf32>
    %exp3A = math.exp %sub3A_34 : vector<256x8xf32>
    %reduce_sum3A_35 = arith.constant dense<0.000000e+00> : vector<256xf32>
    %reduce_sum3A_36 = vector.multi_reduction <add>, %exp3A, %reduce_sum3A_35 [1] : vector<256x8xf32> to vector<256xf32>
    %broadcast_in_dim3A_37 = vector.shape_cast %reduce_sum3A_36 : vector<256xf32> to vector<256x1xf32>
    %div3A_38 = vector.broadcast %broadcast_in_dim3A_37 : vector<256x1xf32> to vector<256x8xf32>
    %div3A_39 = arith.divf %exp3A, %div3A_38 : vector<256x8xf32>
    %iota3A = tpu.iota {dimensions = array<i32: 1>} : vector<256x8xi32>
    %reduce_max3A_40 = arith.constant dense<0xFF800000> : vector<256xf32>
    %reduce_max3A_41 = vector.multi_reduction <maximumf>, %div3A_39, %reduce_max3A_40 [1] : vector<256x8xf32> to vector<256xf32>
    %broadcast_in_dim3A_42 = vector.shape_cast %reduce_max3A_41 : vector<256xf32> to vector<256x1xf32>
    %eq3A = vector.broadcast %broadcast_in_dim3A_42 : vector<256x1xf32> to vector<256x8xf32>
    %eq3A_43 = arith.cmpf oeq, %div3A_39, %eq3A : vector<256x8xf32>
    %jit3A = arith.constant 8 : i32
    %broadcast_in_dim3A_44 = vector.broadcast %jit3A : i32 to vector<256x8xi32>
    %select_n3A = arith.select %eq3A_43, %iota3A, %broadcast_in_dim3A_44 : vector<256x8xi1>, vector<256x8xi32>
    %reduce_min3A = arith.constant dense<2147483647> : vector<256xi32>
    %reduce_min3A_45 = vector.multi_reduction <minsi>, %select_n3A, %reduce_min3A [1] : vector<256x8xi32> to vector<256xi32>
    %broadcast_in_dim3A_46 = vector.shape_cast %reduce_min3A_45 : vector<256xi32> to vector<256x1xi32>
    %eq3A_47 = vector.broadcast %broadcast_in_dim3A_46 : vector<256x1xi32> to vector<256x8xi32>
    %eq3A_48 = arith.cmpi eq, %iota3A, %eq3A_47 : vector<256x8xi32>
    %jit3A_49 = arith.constant -1.000000e+00 : f32
    %broadcast_in_dim3A_50 = vector.broadcast %jit3A_49 : f32 to vector<256x8xf32>
    %select_n3A_51 = arith.select %eq3A_48, %broadcast_in_dim3A_50, %div3A_39 : vector<256x8xi1>, vector<256x8xf32>
    %reduce_max3A_52 = arith.constant dense<0xFF800000> : vector<256xf32>
    %reduce_max3A_53 = vector.multi_reduction <maximumf>, %select_n3A_51, %reduce_max3A_52 [1] : vector<256x8xf32> to vector<256xf32>
    %broadcast_in_dim3A_54 = vector.shape_cast %reduce_max3A_53 : vector<256xf32> to vector<256x1xf32>
    %eq3A_55 = vector.broadcast %broadcast_in_dim3A_54 : vector<256x1xf32> to vector<256x8xf32>
    %eq3A_56 = arith.cmpf oeq, %select_n3A_51, %eq3A_55 : vector<256x8xf32>
    %jit3A_57 = arith.constant 8 : i32
    %broadcast_in_dim3A_58 = vector.broadcast %jit3A_57 : i32 to vector<256x8xi32>
    %select_n3A_59 = arith.select %eq3A_56, %iota3A, %broadcast_in_dim3A_58 : vector<256x8xi1>, vector<256x8xi32>
    %reduce_min3A_60 = arith.constant dense<2147483647> : vector<256xi32>
    %reduce_min3A_61 = vector.multi_reduction <minsi>, %select_n3A_59, %reduce_min3A_60 [1] : vector<256x8xi32> to vector<256xi32>
    %broadcast_in_dim3A_62 = vector.shape_cast %reduce_min3A_61 : vector<256xi32> to vector<256x1xi32>
    %eq3A_63 = vector.broadcast %broadcast_in_dim3A_46 : vector<256x1xi32> to vector<256x8xi32>
    %eq3A_64 = arith.cmpi eq, %iota3A, %eq3A_63 : vector<256x8xi32>
    %eq3A_65 = vector.broadcast %broadcast_in_dim3A_62 : vector<256x1xi32> to vector<256x8xi32>
    %eq3A_66 = arith.cmpi eq, %iota3A, %eq3A_65 : vector<256x8xi32>
    %or3A = arith.ori %eq3A_64, %eq3A_66 : vector<256x8xi1>
    %jit3A_67 = arith.constant 0.000000e+00 : f32
    %broadcast_in_dim3A_68 = vector.broadcast %jit3A_67 : f32 to vector<256x8xf32>
    %select_n3A_69 = arith.select %or3A, %div3A_39, %broadcast_in_dim3A_68 : vector<256x8xi1>, vector<256x8xf32>
    %swap3A_70 = arith.constant 0 : index
    %swap3A_71 = arith.constant 0 : index
    %swap3A_72 = vector.load %arg8[%swap3A_70, %swap3A_71] : memref<256x8xf32, #tpu.memory_space<vmem>>, vector<256x8xf32>
    tpu.vector_store %arg8[%swap3A_70, %swap3A_71], %select_n3A_69 {strides = array<i32>} : memref<256x8xf32, #tpu.memory_space<vmem>>, vector<256x8xf32>,
    return
  }
  func.func @transform_0(%arg0: i32) -> (i32, i32) {
    %c0_i32 = arith.constant 0 : i32
    %c0_i32_0 = arith.constant 0 : i32
    return %arg0, %c0_i32 : i32, i32
  }
  func.func @transform_1(%arg0: i32) -> (i32, i32) {
    %c0_i32 = arith.constant 0 : i32
    %c0_i32_0 = arith.constant 0 : i32
    return %arg0, %c0_i32 : i32, i32
  }
  func.func @transform_2(%arg0: i32) -> (i32, i32) {
    %c0_i32 = arith.constant 0 : i32
    %c0_i32_0 = arith.constant 0 : i32
    %c0_i32_1 = arith.constant 0 : i32
    return %c0_i32, %c0_i32_0 : i32, i32
  }
  func.func @transform_3(%arg0: i32) -> (i32, i32) {
    %c0_i32 = arith.constant 0 : i32
    %c0_i32_0 = arith.constant 0 : i32
    %c0_i32_1 = arith.constant 0 : i32
    return %c0_i32, %c0_i32_0 : i32, i32
  }
  func.func @transform_4(%arg0: i32) -> (i32, i32) {
    %c0_i32 = arith.constant 0 : i32
    %c0_i32_0 = arith.constant 0 : i32
    %c0_i32_1 = arith.constant 0 : i32
    return %c0_i32, %c0_i32_0 : i32, i32
  }
  func.func @transform_5(%arg0: i32) -> (i32, i32) {
    %c0_i32 = arith.constant 0 : i32
    %c0_i32_0 = arith.constant 0 : i32
    return %arg0, %c0_i32 : i32, i32
  }
  func.func @transform_6(%arg0: i32) -> (i32, i32) {
    %c0_i32 = arith.constant 0 : i32
    %c0_i32_0 = arith.constant 0 : i32
    return %arg0, %c0_i32 : i32, i32
  }
  func.func @transform_7(%arg0: i32) -> (i32, i32) {
    %c0_i32 = arith.constant 0 : i32
    %c0_i32_0 = arith.constant 0 : i32
    return %arg0, %c0_i32 : i32, i32
  }
}

module attributes {stable_mosaic.version = 14 : i64} {
  func.func @_meta_kernel(%arg0: i32, %arg1: memref<2048x8xf32, #tpu.memory_space<vmem>>, %arg2: memref<2048x2048xbf16, #tpu.memory_space<vmem>>, %arg3: memref<8x2048xf32, #tpu.memory_space<vmem>>, %arg4: memref<8x2048xf32, #tpu.memory_space<vmem>>, %arg5: memref<1x24xi32, #tpu.memory_space<vmem>>, %arg6: memref<1x24xi32, #tpu.memory_space<vmem>>, %arg7: memref<1x2048xi32, #tpu.memory_space<vmem>>, %arg8: memref<1x2048xi32, #tpu.memory_space<vmem>>) attributes {dimension_semantics = [#tpu.dimension_semantics<arbitrary>], iteration_bounds = array<i64: 1>, scalar_prefetch = 0 : i64, scratch_operands = 0 : i64, tpu.core_type = #tpu.core_type<tc>, window_params = [{pipeline_mode = #tpu.pipeline_mode<synchronous>, transform_indices = @transform_0, window_bounds = array<i64: 2048, 8>}, {pipeline_mode = #tpu.pipeline_mode<synchronous>, transform_indices = @transform_1, window_bounds = array<i64: 2048, 2048>}, {pipeline_mode = #tpu.pipeline_mode<synchronous>, transform_indices = @transform_2, window_bounds = array<i64: 8, 2048>}, {pipeline_mode = #tpu.pipeline_mode<synchronous>, transform_indices = @transform_3, window_bounds = array<i64: 8, 2048>}, {pipeline_mode = #tpu.pipeline_mode<synchronous>, transform_indices = @transform_4, window_bounds = array<i64: 1, 24>}, {pipeline_mode = #tpu.pipeline_mode<synchronous>, transform_indices = @transform_5, window_bounds = array<i64: 1, 24>}, {pipeline_mode = #tpu.pipeline_mode<synchronous>, transform_indices = @transform_6, window_bounds = array<i64: 1, 2048>}, {pipeline_mode = #tpu.pipeline_mode<synchronous>, transform_indices = @transform_7, window_bounds = array<i64: 1, 2048>}]} {
    %get3A = arith.constant 0 : index
    %get3A_0 = arith.constant 0 : index
    %get3A_1 = vector.load %arg1[%get3A, %get3A_0] : memref<2048x8xf32, #tpu.memory_space<vmem>>, vector<2048x8xf32>
    %transpose3A = tpu.transpose %get3A_1, [1, 0] : vector<2048x8xf32> -> vector<8x2048xf32>
    %swap3A = arith.constant 0 : index
    %swap3A_2 = arith.constant 0 : index
    %swap3A_3 = vector.load %arg4[%swap3A, %swap3A_2] : memref<8x2048xf32, #tpu.memory_space<vmem>>, vector<8x2048xf32>
    tpu.vector_store %arg4[%swap3A, %swap3A_2], %transpose3A {strides = array<i32>} : memref<8x2048xf32, #tpu.memory_space<vmem>>, vector<8x2048xf32>,
    %gt3A = arith.constant 0.000000e+00 : f32
    %gt3A_4 = vector.broadcast %gt3A : f32 to vector<8x2048xf32>
    %gt3A_5 = arith.cmpf ogt, %transpose3A, %gt3A_4 : vector<8x2048xf32>
    %convert_element_type3A = arith.extui %gt3A_5 : vector<8x2048xi1> to vector<8x2048xi32>
    %convert_element_type3A_6 = arith.sitofp %convert_element_type3A : vector<8x2048xi32> to vector<8x2048xf32>
    %convert_element_type3A_7 = arith.truncf %convert_element_type3A_6 : vector<8x2048xf32> to vector<8x2048xbf16>
    %get3A_8 = arith.constant 0 : index
    %get3A_9 = arith.constant 0 : index
    %get3A_10 = vector.load %arg2[%get3A_8, %get3A_9] : memref<2048x2048xbf16, #tpu.memory_space<vmem>>, vector<2048x2048xbf16>
    %dot_general3A = arith.constant dense<0.000000e+00> : vector<8x2048xf32>
    %dot_general3A_11 = tpu.matmul %convert_element_type3A_7, %get3A_10, %dot_general3A {dimension_numbers = #tpu.dot_dimension_numbers<[1], [0], [0], [1], [0, 0, 1, 1], [], []>, transpose_lhs_hint = false} : vector<8x2048xbf16>, vector<2048x2048xbf16>, vector<8x2048xf32> -> vector<8x2048xf32>
    %swap3A_12 = arith.constant 0 : index
    %swap3A_13 = arith.constant 0 : index
    %swap3A_14 = vector.load %arg3[%swap3A_12, %swap3A_13] : memref<8x2048xf32, #tpu.memory_space<vmem>>, vector<8x2048xf32>
    tpu.vector_store %arg3[%swap3A_12, %swap3A_13], %dot_general3A_11 {strides = array<i32>} : memref<8x2048xf32, #tpu.memory_space<vmem>>, vector<8x2048xf32>,
    %slice3A = vector.extract_strided_slice %dot_general3A_11 {offsets = [0, 2047], sizes = [8, 1], strides = [1, 1]} : vector<8x2048xf32> to vector<8x1xf32>
    %convert_element_type3A_15 = arith.fptosi %slice3A : vector<8x1xf32> to vector<8x1xi32>
    %add3A = arith.constant 255 : i32
    %add3A_16 = vector.broadcast %add3A : i32 to vector<8x1xi32>
    %add3A_17 = arith.addi %convert_element_type3A_15, %add3A_16 : vector<8x1xi32>
    %jit3A = arith.constant 256 : i32
    %div3A = vector.broadcast %jit3A : i32 to vector<8x1xi32>
    %div3A_18 = arith.divsi %add3A_17, %div3A : vector<8x1xi32>
    %sign3A = arith.constant 0 : i32
    %sign3A_19 = vector.broadcast %sign3A : i32 to vector<8x1xi32>
    %sign3A_20 = arith.cmpi sgt, %add3A_17, %sign3A_19 : vector<8x1xi32>
    %sign3A_21 = arith.extui %sign3A_20 : vector<8x1xi1> to vector<8x1xi32>
    %sign3A_22 = arith.constant 0 : i32
    %sign3A_23 = vector.broadcast %sign3A_22 : i32 to vector<8x1xi32>
    %sign3A_24 = arith.cmpi slt, %add3A_17, %sign3A_23 : vector<8x1xi32>
    %sign3A_25 = arith.extui %sign3A_24 : vector<8x1xi1> to vector<8x1xi32>
    %sign3A_26 = arith.subi %sign3A_21, %sign3A_25 : vector<8x1xi32>
    %sign3A_27 = arith.constant 0 : i32
    %sign3A_28 = arith.cmpi sgt, %jit3A, %sign3A_27 : i32
    %sign3A_29 = arith.extui %sign3A_28 : i1 to i32
    %sign3A_30 = arith.constant 0 : i32
    %sign3A_31 = arith.cmpi slt, %jit3A, %sign3A_30 : i32
    %sign3A_32 = arith.extui %sign3A_31 : i1 to i32
    %sign3A_33 = arith.subi %sign3A_29, %sign3A_32 : i32
    %ne3A = vector.broadcast %sign3A_33 : i32 to vector<8x1xi32>
    %ne3A_34 = arith.cmpi ne, %sign3A_26, %ne3A : vector<8x1xi32>
    %rem3A = vector.broadcast %jit3A : i32 to vector<8x1xi32>
    %rem3A_35 = arith.remsi %add3A_17, %rem3A : vector<8x1xi32>
    %ne3A_36 = arith.constant 0 : i32
    %ne3A_37 = vector.broadcast %ne3A_36 : i32 to vector<8x1xi32>
    %ne3A_38 = arith.cmpi ne, %rem3A_35, %ne3A_37 : vector<8x1xi32>
    %and3A = arith.andi %ne3A_34, %ne3A_38 : vector<8x1xi1>
    %sub3A = arith.constant 1 : i32
    %sub3A_39 = vector.broadcast %sub3A : i32 to vector<8x1xi32>
    %sub3A_40 = arith.subi %div3A_18, %sub3A_39 : vector<8x1xi32>
    %select_n3A = arith.select %and3A, %sub3A_40, %div3A_18 : vector<8x1xi1>, vector<8x1xi32>
    %mul3A = arith.constant 256 : i32
    %mul3A_41 = vector.broadcast %mul3A : i32 to vector<8x1xi32>
    %mul3A_42 = arith.muli %select_n3A, %mul3A_41 : vector<8x1xi32>
    %convert_element_type3A_43 = arith.sitofp %mul3A_42 : vector<8x1xi32> to vector<8x1xf32>
    %transpose3A_44 = tpu.transpose %convert_element_type3A_43, [1, 0] : vector<8x1xf32> -> vector<1x8xf32>
    %iota3A = tpu.iota {dimensions = array<i32: 0>} : vector<8x8xi32>
    %iota3A_45 = tpu.iota {dimensions = array<i32: 1>} : vector<8x8xi32>
    %lt3A = arith.cmpi slt, %iota3A_45, %iota3A : vector<8x8xi32>
    %convert_element_type3A_46 = arith.extui %lt3A : vector<8x8xi1> to vector<8x8xi32>
    %convert_element_type3A_47 = arith.sitofp %convert_element_type3A_46 : vector<8x8xi32> to vector<8x8xf32>
    %broadcast_in_dim3A = vector.shape_cast %transpose3A_44 : vector<1x8xf32> to vector<1x8xf32>
    %broadcast_in_dim3A_48 = vector.broadcast %broadcast_in_dim3A : vector<1x8xf32> to vector<8x8xf32>
    %mul3A_49 = arith.mulf %broadcast_in_dim3A_48, %convert_element_type3A_47 : vector<8x8xf32>
    %reduce_sum3A = arith.constant dense<0.000000e+00> : vector<8xf32>
    %reduce_sum3A_50 = vector.multi_reduction <add>, %mul3A_49, %reduce_sum3A [1] : vector<8x8xf32> to vector<8xf32>
    %broadcast_in_dim3A_51 = vector.shape_cast %reduce_sum3A_50 : vector<8xf32> to vector<8x1xf32>
    %convert_element_type3A_52 = arith.fptosi %broadcast_in_dim3A_51 : vector<8x1xf32> to vector<8x1xi32>
    %add3A_53 = arith.addi %convert_element_type3A_52, %mul3A_42 : vector<8x1xi32>
    %iota3A_54 = tpu.iota {dimensions = array<i32: 1>} : vector<1x24xi32>
    %mul3A_55 = arith.constant 256 : i32
    %mul3A_56 = vector.broadcast %mul3A_55 : i32 to vector<1x24xi32>
    %mul3A_57 = arith.muli %iota3A_54, %mul3A_56 : vector<1x24xi32>
    %broadcast_in_dim3A_58 = vector.shape_cast %add3A_53 : vector<8x1xi32> to vector<8x1xi32>
    %broadcast_in_dim3A_59 = vector.broadcast %broadcast_in_dim3A_58 : vector<8x1xi32> to vector<8x24xi32>
    %broadcast_in_dim3A_60 = vector.shape_cast %mul3A_57 : vector<1x24xi32> to vector<1x24xi32>
    %broadcast_in_dim3A_61 = vector.broadcast %broadcast_in_dim3A_60 : vector<1x24xi32> to vector<8x24xi32>
    %le3A = arith.cmpi sle, %broadcast_in_dim3A_59, %broadcast_in_dim3A_61 : vector<8x24xi32>
    %convert_element_type3A_62 = arith.extui %le3A : vector<8x24xi1> to vector<8x24xi32>
    %reduce_sum3A_63 = arith.constant dense<0> : vector<24xi32>
    %reduce_sum3A_64 = vector.multi_reduction <add>, %convert_element_type3A_62, %reduce_sum3A_63 [0] : vector<8x24xi32> to vector<24xi32>
    %broadcast_in_dim3A_65 = vector.shape_cast %reduce_sum3A_64 : vector<24xi32> to vector<1x24xi32>
    %min3A = arith.constant 7 : i32
    %min3A_66 = vector.broadcast %min3A : i32 to vector<1x24xi32>
    %min3A_67 = arith.minsi %broadcast_in_dim3A_65, %min3A_66 : vector<1x24xi32>
    %broadcast_in_dim3A_68 = vector.shape_cast %min3A_67 : vector<1x24xi32> to vector<1x24xi32>
    %broadcast_in_dim3A_69 = vector.broadcast %broadcast_in_dim3A_68 : vector<1x24xi32> to vector<8x24xi32>
    %iota3A_70 = tpu.iota {dimensions = array<i32: 0>} : vector<8x24xi32>
    %eq3A = arith.cmpi eq, %broadcast_in_dim3A_69, %iota3A_70 : vector<8x24xi32>
    %broadcast_in_dim3A_71 = vector.shape_cast %convert_element_type3A_52 : vector<8x1xi32> to vector<8x1xi32>
    %broadcast_in_dim3A_72 = vector.broadcast %broadcast_in_dim3A_71 : vector<8x1xi32> to vector<8x24xi32>
    %jit3A_73 = arith.constant 0 : i32
    %broadcast_in_dim3A_74 = vector.broadcast %jit3A_73 : i32 to vector<8x24xi32>
    %select_n3A_75 = arith.select %eq3A, %broadcast_in_dim3A_72, %broadcast_in_dim3A_74 : vector<8x24xi1>, vector<8x24xi32>
    %reduce_sum3A_76 = arith.constant dense<0> : vector<24xi32>
    %reduce_sum3A_77 = vector.multi_reduction <add>, %select_n3A_75, %reduce_sum3A_76 [0] : vector<8x24xi32> to vector<24xi32>
    %broadcast_in_dim3A_78 = vector.shape_cast %reduce_sum3A_77 : vector<24xi32> to vector<1x24xi32>
    %swap3A_79 = arith.constant 0 : index
    %swap3A_80 = arith.constant 0 : index
    %swap3A_81 = vector.load %arg5[%swap3A_79, %swap3A_80] : memref<1x24xi32, #tpu.memory_space<vmem>>, vector<1x24xi32>
    tpu.vector_store %arg5[%swap3A_79, %swap3A_80], %min3A_67 {strides = array<i32>} : memref<1x24xi32, #tpu.memory_space<vmem>>, vector<1x24xi32>,
    %sub3A_82 = arith.subi %mul3A_57, %broadcast_in_dim3A_78 : vector<1x24xi32>
    %swap3A_83 = arith.constant 0 : index
    %swap3A_84 = arith.constant 0 : index
    %swap3A_85 = vector.load %arg6[%swap3A_83, %swap3A_84] : memref<1x24xi32, #tpu.memory_space<vmem>>, vector<1x24xi32>
    tpu.vector_store %arg6[%swap3A_83, %swap3A_84], %sub3A_82 {strides = array<i32>} : memref<1x24xi32, #tpu.memory_space<vmem>>, vector<1x24xi32>,
    %add3A_86 = vector.broadcast %broadcast_in_dim3A_51 : vector<8x1xf32> to vector<8x2048xf32>
    %add3A_87 = arith.addf %add3A_86, %dot_general3A_11 : vector<8x2048xf32>
    %sub3A_88 = arith.constant 1.000000e+00 : f32
    %sub3A_89 = vector.broadcast %sub3A_88 : f32 to vector<8x2048xf32>
    %sub3A_90 = arith.subf %add3A_87, %sub3A_89 : vector<8x2048xf32>
    %gt3A_91 = arith.constant 0.000000e+00 : f32
    %gt3A_92 = vector.broadcast %gt3A_91 : f32 to vector<8x2048xf32>
    %gt3A_93 = arith.cmpf ogt, %transpose3A, %gt3A_92 : vector<8x2048xf32>
    %jit3A_94 = arith.constant 3.000000e+07 : f32
    %broadcast_in_dim3A_95 = vector.broadcast %jit3A_94 : f32 to vector<8x2048xf32>
    %select_n3A_96 = arith.select %gt3A_93, %sub3A_90, %broadcast_in_dim3A_95 : vector<8x2048xi1>, vector<8x2048xf32>
    %reduce_min3A = arith.constant dense<0x7F800000> : vector<2048xf32>
    %reduce_min3A_97 = vector.multi_reduction <minimumf>, %select_n3A_96, %reduce_min3A [0] : vector<8x2048xf32> to vector<2048xf32>
    %broadcast_in_dim3A_98 = vector.shape_cast %reduce_min3A_97 : vector<2048xf32> to vector<1x2048xf32>
    %convert_element_type3A_99 = arith.fptosi %broadcast_in_dim3A_98 : vector<1x2048xf32> to vector<1x2048xi32>
    %swap3A_100 = arith.constant 0 : index
    %swap3A_101 = arith.constant 0 : index
    %swap3A_102 = vector.load %arg7[%swap3A_100, %swap3A_101] : memref<1x2048xi32, #tpu.memory_space<vmem>>, vector<1x2048xi32>
    tpu.vector_store %arg7[%swap3A_100, %swap3A_101], %convert_element_type3A_99 {strides = array<i32>} : memref<1x2048xi32, #tpu.memory_space<vmem>>, vector<1x2048xi32>,
    %jit3A_103 = arith.constant -1.000000e+00 : f32
    %broadcast_in_dim3A_104 = vector.broadcast %jit3A_103 : f32 to vector<8x2048xf32>
    %select_n3A_105 = arith.select %gt3A_93, %sub3A_90, %broadcast_in_dim3A_104 : vector<8x2048xi1>, vector<8x2048xf32>
    %reduce_max3A = arith.constant dense<0xFF800000> : vector<2048xf32>
    %reduce_max3A_106 = vector.multi_reduction <maximumf>, %select_n3A_105, %reduce_max3A [0] : vector<8x2048xf32> to vector<2048xf32>
    %broadcast_in_dim3A_107 = vector.shape_cast %reduce_max3A_106 : vector<2048xf32> to vector<1x2048xf32>
    %convert_element_type3A_108 = arith.fptosi %broadcast_in_dim3A_107 : vector<1x2048xf32> to vector<1x2048xi32>
    %swap3A_109 = arith.constant 0 : index
    %swap3A_110 = arith.constant 0 : index
    %swap3A_111 = vector.load %arg8[%swap3A_109, %swap3A_110] : memref<1x2048xi32, #tpu.memory_space<vmem>>, vector<1x2048xi32>
    tpu.vector_store %arg8[%swap3A_109, %swap3A_110], %convert_element_type3A_108 {strides = array<i32>} : memref<1x2048xi32, #tpu.memory_space<vmem>>, vector<1x2048xi32>,
    return
  }
  func.func @transform_0(%arg0: i32) -> (i32, i32) {
    %c0_i32 = arith.constant 0 : i32
    %c0_i32_0 = arith.constant 0 : i32
    %c0_i32_1 = arith.constant 0 : i32
    return %c0_i32, %c0_i32_0 : i32, i32
  }
  func.func @transform_1(%arg0: i32) -> (i32, i32) {
    %c0_i32 = arith.constant 0 : i32
    %c0_i32_0 = arith.constant 0 : i32
    %c0_i32_1 = arith.constant 0 : i32
    return %c0_i32, %c0_i32_0 : i32, i32
  }
  func.func @transform_2(%arg0: i32) -> (i32, i32) {
    %c0_i32 = arith.constant 0 : i32
    %c0_i32_0 = arith.constant 0 : i32
    %c0_i32_1 = arith.constant 0 : i32
    return %c0_i32, %c0_i32_0 : i32, i32
  }
  func.func @transform_3(%arg0: i32) -> (i32, i32) {
    %c0_i32 = arith.constant 0 : i32
    %c0_i32_0 = arith.constant 0 : i32
    %c0_i32_1 = arith.constant 0 : i32
    return %c0_i32, %c0_i32_0 : i32, i32
  }
  func.func @transform_4(%arg0: i32) -> (i32, i32) {
    %c0_i32 = arith.constant 0 : i32
    %c0_i32_0 = arith.constant 0 : i32
    %c0_i32_1 = arith.constant 0 : i32
    return %c0_i32, %c0_i32_0 : i32, i32
  }
  func.func @transform_5(%arg0: i32) -> (i32, i32) {
    %c0_i32 = arith.constant 0 : i32
    %c0_i32_0 = arith.constant 0 : i32
    %c0_i32_1 = arith.constant 0 : i32
    return %c0_i32, %c0_i32_0 : i32, i32
  }
  func.func @transform_6(%arg0: i32) -> (i32, i32) {
    %c0_i32 = arith.constant 0 : i32
    %c0_i32_0 = arith.constant 0 : i32
    %c0_i32_1 = arith.constant 0 : i32
    return %c0_i32, %c0_i32_0 : i32, i32
  }
  func.func @transform_7(%arg0: i32) -> (i32, i32) {
    %c0_i32 = arith.constant 0 : i32
    %c0_i32_0 = arith.constant 0 : i32
    %c0_i32_1 = arith.constant 0 : i32
    return %c0_i32, %c0_i32_0 : i32, i32
  }
}

module attributes {stable_mosaic.version = 14 : i64} {
  func.func @_gexpert_kernel(%arg0: i32, %arg1: memref<24xi32, #tpu.memory_space<smem>>, %arg2: memref<24xi32, #tpu.memory_space<smem>>, %arg3: memref<1x1x2048xf32, #tpu.memory_space<vmem>>, %arg4: memref<1x1x2048xf32, #tpu.memory_space<vmem>>, %arg5: memref<2048x2048xbf16, #tpu.memory_space<vmem>>, %arg6: memref<1x2048x1024xbf16, #tpu.memory_space<vmem>>, %arg7: memref<1x1024x2048xbf16, #tpu.memory_space<vmem>>, %arg8: memref<1x2048x1024xbf16, #tpu.memory_space<vmem>>, %arg9: memref<256x2048xf32, #tpu.memory_space<vmem>>) attributes {dimension_semantics = [#tpu.dimension_semantics<arbitrary>], iteration_bounds = array<i64: 24>, scalar_prefetch = 2 : i64, scratch_operands = 0 : i64, tpu.core_type = #tpu.core_type<tc>, window_params = [{transform_indices = @transform_0, window_bounds = array<i64: 1, 1, 2048>}, {transform_indices = @transform_1, window_bounds = array<i64: 1, 1, 2048>}, {pipeline_mode = #tpu.pipeline_mode<synchronous>, transform_indices = @transform_2, window_bounds = array<i64: 2048, 2048>}, {transform_indices = @transform_3, window_bounds = array<i64: 1, 2048, 1024>}, {transform_indices = @transform_4, window_bounds = array<i64: 1, 1024, 2048>}, {transform_indices = @transform_5, window_bounds = array<i64: 1, 2048, 1024>}, {transform_indices = @transform_6, window_bounds = array<i64: 256, 2048>}]} {
    %get3A = arith.index_cast %arg0 : i32 to index
    %get3A_0 = memref.load %arg2[%get3A] : memref<24xi32, #tpu.memory_space<smem>>
    %get3A_1 = arith.constant 0 : index
    %get3A_2 = arith.constant 0 : index
    %get3A_3 = arith.constant 0 : index
    %get3A_4 = vector.load %arg3[%get3A_1, %get3A_2, %get3A_3] : memref<1x1x2048xf32, #tpu.memory_space<vmem>>, vector<1x1x2048xf32>
    %get3A_5 = vector.shape_cast %get3A_4 : vector<1x1x2048xf32> to vector<1x2048xf32>
    %get3A_6 = arith.constant 0 : index
    %get3A_7 = arith.constant 0 : index
    %get3A_8 = arith.constant 0 : index
    %get3A_9 = vector.load %arg4[%get3A_6, %get3A_7, %get3A_8] : memref<1x1x2048xf32, #tpu.memory_space<vmem>>, vector<1x1x2048xf32>
    %get3A_10 = vector.shape_cast %get3A_9 : vector<1x1x2048xf32> to vector<1x2048xf32>
    %iota3A = tpu.iota {dimensions = array<i32: 0>} : vector<256x1xi32>
    %add3A = vector.broadcast %get3A_0 : i32 to vector<256x1xi32>
    %add3A_11 = arith.addi %add3A, %iota3A : vector<256x1xi32>
    %convert_element_type3A = arith.sitofp %add3A_11 : vector<256x1xi32> to vector<256x1xf32>
    %broadcast_in_dim3A = vector.shape_cast %get3A_5 : vector<1x2048xf32> to vector<1x2048xf32>
    %broadcast_in_dim3A_12 = vector.broadcast %broadcast_in_dim3A : vector<1x2048xf32> to vector<256x2048xf32>
    %broadcast_in_dim3A_13 = vector.shape_cast %get3A_10 : vector<1x2048xf32> to vector<1x2048xf32>
    %broadcast_in_dim3A_14 = vector.broadcast %broadcast_in_dim3A_13 : vector<1x2048xf32> to vector<256x2048xf32>
    %add3A_15 = arith.constant 1.000000e+00 : f32
    %add3A_16 = vector.broadcast %add3A_15 : f32 to vector<256x1xf32>
    %add3A_17 = arith.addf %convert_element_type3A, %add3A_16 : vector<256x1xf32>
    %eq3A = vector.broadcast %add3A_17 : vector<256x1xf32> to vector<256x2048xf32>
    %eq3A_18 = arith.cmpf oeq, %broadcast_in_dim3A_12, %eq3A : vector<256x2048xf32>
    %gt3A = arith.constant 0.000000e+00 : f32
    %gt3A_19 = vector.broadcast %gt3A : f32 to vector<256x2048xf32>
    %gt3A_20 = arith.cmpf ogt, %broadcast_in_dim3A_14, %gt3A_19 : vector<256x2048xf32>
    %and3A = arith.andi %eq3A_18, %gt3A_20 : vector<256x2048xi1>
    %convert_element_type3A_21 = arith.extui %and3A : vector<256x2048xi1> to vector<256x2048xi32>
    %convert_element_type3A_22 = arith.sitofp %convert_element_type3A_21 : vector<256x2048xi32> to vector<256x2048xf32>
    %convert_element_type3A_23 = arith.truncf %convert_element_type3A_22 : vector<256x2048xf32> to vector<256x2048xbf16>
    %get3A_24 = arith.constant 0 : index
    %get3A_25 = arith.constant 0 : index
    %get3A_26 = vector.load %arg5[%get3A_24, %get3A_25] : memref<2048x2048xbf16, #tpu.memory_space<vmem>>, vector<2048x2048xbf16>
    %dot_general3A = arith.constant dense<0.000000e+00> : vector<256x2048xf32>
    %dot_general3A_27 = tpu.matmul %convert_element_type3A_23, %get3A_26, %dot_general3A {dimension_numbers = #tpu.dot_dimension_numbers<[1], [0], [0], [1], [0, 0, 1, 1], [], []>, transpose_lhs_hint = false} : vector<256x2048xbf16>, vector<2048x2048xbf16>, vector<256x2048xf32> -> vector<256x2048xf32>
    %convert_element_type3A_28 = arith.truncf %dot_general3A_27 : vector<256x2048xf32> to vector<256x2048xbf16>
    %jit3A = arith.constant 0.000000e+00 : f32
    %broadcast_in_dim3A_29 = vector.broadcast %jit3A : f32 to vector<256x2048xf32>
    %select_n3A = arith.select %and3A, %broadcast_in_dim3A_14, %broadcast_in_dim3A_29 : vector<256x2048xi1>, vector<256x2048xf32>
    %reduce_sum3A = arith.constant dense<0.000000e+00> : vector<256xf32>
    %reduce_sum3A_30 = vector.multi_reduction <add>, %select_n3A, %reduce_sum3A [1] : vector<256x2048xf32> to vector<256xf32>
    %broadcast_in_dim3A_31 = vector.shape_cast %reduce_sum3A_30 : vector<256xf32> to vector<256x1xf32>
    %get3A_32 = arith.constant 0 : index
    %get3A_33 = arith.constant 0 : index
    %get3A_34 = arith.constant 0 : index
    %get3A_35 = vector.load %arg6[%get3A_32, %get3A_33, %get3A_34] : memref<1x2048x1024xbf16, #tpu.memory_space<vmem>>, vector<1x2048x1024xbf16>
    %get3A_36 = vector.shape_cast %get3A_35 : vector<1x2048x1024xbf16> to vector<2048x1024xbf16>
    %dot_general3A_37 = arith.constant dense<0.000000e+00> : vector<256x1024xf32>
    %dot_general3A_38 = tpu.matmul %convert_element_type3A_28, %get3A_36, %dot_general3A_37 {dimension_numbers = #tpu.dot_dimension_numbers<[1], [0], [0], [1], [0, 0, 1, 1], [], []>, transpose_lhs_hint = false} : vector<256x2048xbf16>, vector<2048x1024xbf16>, vector<256x1024xf32> -> vector<256x1024xf32>
    %get3A_39 = arith.constant 0 : index
    %get3A_40 = arith.constant 0 : index
    %get3A_41 = arith.constant 0 : index
    %get3A_42 = vector.load %arg8[%get3A_39, %get3A_40, %get3A_41] : memref<1x2048x1024xbf16, #tpu.memory_space<vmem>>, vector<1x2048x1024xbf16>
    %get3A_43 = vector.shape_cast %get3A_42 : vector<1x2048x1024xbf16> to vector<2048x1024xbf16>
    %dot_general3A_44 = arith.constant dense<0.000000e+00> : vector<256x1024xf32>
    %dot_general3A_45 = tpu.matmul %convert_element_type3A_28, %get3A_43, %dot_general3A_44 {dimension_numbers = #tpu.dot_dimension_numbers<[1], [0], [0], [1], [0, 0, 1, 1], [], []>, transpose_lhs_hint = false} : vector<256x2048xbf16>, vector<2048x1024xbf16>, vector<256x1024xf32> -> vector<256x1024xf32>
    %logistic3A = arith.negf %dot_general3A_38 : vector<256x1024xf32>
    %logistic3A_46 = math.exp %logistic3A : vector<256x1024xf32>
    %logistic3A_47 = arith.constant 1.000000e+00 : f32
    %logistic3A_48 = vector.broadcast %logistic3A_47 : f32 to vector<256x1024xf32>
    %logistic3A_49 = arith.addf %logistic3A_48, %logistic3A_46 : vector<256x1024xf32>
    %logistic3A_50 = arith.divf %logistic3A_48, %logistic3A_49 : vector<256x1024xf32>
    %mul3A = arith.mulf %dot_general3A_38, %logistic3A_50 : vector<256x1024xf32>
    %mul3A_51 = arith.mulf %mul3A, %dot_general3A_45 : vector<256x1024xf32>
    %convert_element_type3A_52 = arith.truncf %mul3A_51 : vector<256x1024xf32> to vector<256x1024xbf16>
    %get3A_53 = arith.constant 0 : index
    %get3A_54 = arith.constant 0 : index
    %get3A_55 = arith.constant 0 : index
    %get3A_56 = vector.load %arg7[%get3A_53, %get3A_54, %get3A_55] : memref<1x1024x2048xbf16, #tpu.memory_space<vmem>>, vector<1x1024x2048xbf16>
    %get3A_57 = vector.shape_cast %get3A_56 : vector<1x1024x2048xbf16> to vector<1024x2048xbf16>
    %dot_general3A_58 = arith.constant dense<0.000000e+00> : vector<256x2048xf32>
    %dot_general3A_59 = tpu.matmul %convert_element_type3A_52, %get3A_57, %dot_general3A_58 {dimension_numbers = #tpu.dot_dimension_numbers<[1], [0], [0], [1], [0, 0, 1, 1], [], []>, transpose_lhs_hint = false} : vector<256x1024xbf16>, vector<1024x2048xbf16>, vector<256x2048xf32> -> vector<256x2048xf32>
    %mul3A_60 = vector.broadcast %broadcast_in_dim3A_31 : vector<256x1xf32> to vector<256x2048xf32>
    %mul3A_61 = arith.mulf %dot_general3A_59, %mul3A_60 : vector<256x2048xf32>
    %swap3A = arith.constant 0 : index
    %swap3A_62 = arith.constant 0 : index
    %swap3A_63 = vector.load %arg9[%swap3A, %swap3A_62] : memref<256x2048xf32, #tpu.memory_space<vmem>>, vector<256x2048xf32>
    tpu.vector_store %arg9[%swap3A, %swap3A_62], %mul3A_61 {strides = array<i32>} : memref<256x2048xf32, #tpu.memory_space<vmem>>, vector<256x2048xf32>,
    return
  }
  func.func @transform_0(%arg0: i32, %arg1: memref<24xi32, #tpu.memory_space<smem>>, %arg2: memref<24xi32, #tpu.memory_space<smem>>) -> (i32, i32, i32) {
    %get3A = arith.index_cast %arg0 : i32 to index
    %get3A_0 = memref.load %arg1[%get3A] : memref<24xi32, #tpu.memory_space<smem>>
    %c0_i32 = arith.constant 0 : i32
    %c0_i32_1 = arith.constant 0 : i32
    %c0_i32_2 = arith.constant 0 : i32
    return %get3A_0, %c0_i32, %c0_i32_1 : i32, i32, i32
  }
  func.func @transform_1(%arg0: i32, %arg1: memref<24xi32, #tpu.memory_space<smem>>, %arg2: memref<24xi32, #tpu.memory_space<smem>>) -> (i32, i32, i32) {
    %get3A = arith.index_cast %arg0 : i32 to index
    %get3A_0 = memref.load %arg1[%get3A] : memref<24xi32, #tpu.memory_space<smem>>
    %c0_i32 = arith.constant 0 : i32
    %c0_i32_1 = arith.constant 0 : i32
    %c0_i32_2 = arith.constant 0 : i32
    return %get3A_0, %c0_i32, %c0_i32_1 : i32, i32, i32
  }
  func.func @transform_2(%arg0: i32, %arg1: memref<24xi32, #tpu.memory_space<smem>>, %arg2: memref<24xi32, #tpu.memory_space<smem>>) -> (i32, i32) {
    %c0_i32 = arith.constant 0 : i32
    %c0_i32_0 = arith.constant 0 : i32
    %c0_i32_1 = arith.constant 0 : i32
    return %c0_i32, %c0_i32_0 : i32, i32
  }
  func.func @transform_3(%arg0: i32, %arg1: memref<24xi32, #tpu.memory_space<smem>>, %arg2: memref<24xi32, #tpu.memory_space<smem>>) -> (i32, i32, i32) {
    %get3A = arith.index_cast %arg0 : i32 to index
    %get3A_0 = memref.load %arg1[%get3A] : memref<24xi32, #tpu.memory_space<smem>>
    %c0_i32 = arith.constant 0 : i32
    %c0_i32_1 = arith.constant 0 : i32
    %c0_i32_2 = arith.constant 0 : i32
    return %get3A_0, %c0_i32, %c0_i32_1 : i32, i32, i32
  }
  func.func @transform_4(%arg0: i32, %arg1: memref<24xi32, #tpu.memory_space<smem>>, %arg2: memref<24xi32, #tpu.memory_space<smem>>) -> (i32, i32, i32) {
    %get3A = arith.index_cast %arg0 : i32 to index
    %get3A_0 = memref.load %arg1[%get3A] : memref<24xi32, #tpu.memory_space<smem>>
    %c0_i32 = arith.constant 0 : i32
    %c0_i32_1 = arith.constant 0 : i32
    %c0_i32_2 = arith.constant 0 : i32
    return %get3A_0, %c0_i32, %c0_i32_1 : i32, i32, i32
  }
  func.func @transform_5(%arg0: i32, %arg1: memref<24xi32, #tpu.memory_space<smem>>, %arg2: memref<24xi32, #tpu.memory_space<smem>>) -> (i32, i32, i32) {
    %get3A = arith.index_cast %arg0 : i32 to index
    %get3A_0 = memref.load %arg1[%get3A] : memref<24xi32, #tpu.memory_space<smem>>
    %c0_i32 = arith.constant 0 : i32
    %c0_i32_1 = arith.constant 0 : i32
    %c0_i32_2 = arith.constant 0 : i32
    return %get3A_0, %c0_i32, %c0_i32_1 : i32, i32, i32
  }
  func.func @transform_6(%arg0: i32, %arg1: memref<24xi32, #tpu.memory_space<smem>>, %arg2: memref<24xi32, #tpu.memory_space<smem>>) -> (i32, i32) {
    %c0_i32 = arith.constant 0 : i32
    %c0_i32_0 = arith.constant 0 : i32
    return %arg0, %c0_i32 : i32, i32
  }
}

module attributes {stable_mosaic.version = 14 : i64} {
  func.func @_shared_kernel(%arg0: i32, %arg1: memref<256x2048xf32, #tpu.memory_space<vmem>>, %arg2: memref<256x2048xbf16, #tpu.memory_space<vmem>>, %arg3: memref<2048x2048xbf16, #tpu.memory_space<vmem>>, %arg4: memref<2048x2048xbf16, #tpu.memory_space<vmem>>, %arg5: memref<2048x2048xbf16, #tpu.memory_space<vmem>>, %arg6: memref<256x2048xf32, #tpu.memory_space<vmem>>) attributes {dimension_semantics = [#tpu.dimension_semantics<arbitrary>], iteration_bounds = array<i64: 8>, scalar_prefetch = 0 : i64, scratch_operands = 0 : i64, tpu.core_type = #tpu.core_type<tc>, window_params = [{transform_indices = @transform_0, window_bounds = array<i64: 256, 2048>}, {transform_indices = @transform_1, window_bounds = array<i64: 256, 2048>}, {pipeline_mode = #tpu.pipeline_mode<synchronous>, transform_indices = @transform_2, window_bounds = array<i64: 2048, 2048>}, {pipeline_mode = #tpu.pipeline_mode<synchronous>, transform_indices = @transform_3, window_bounds = array<i64: 2048, 2048>}, {pipeline_mode = #tpu.pipeline_mode<synchronous>, transform_indices = @transform_4, window_bounds = array<i64: 2048, 2048>}, {transform_indices = @transform_5, window_bounds = array<i64: 256, 2048>}]} {
    %get3A = arith.constant 0 : index
    %get3A_0 = arith.constant 0 : index
    %get3A_1 = vector.load %arg2[%get3A, %get3A_0] : memref<256x2048xbf16, #tpu.memory_space<vmem>>, vector<256x2048xbf16>
    %get3A_2 = arith.constant 0 : index
    %get3A_3 = arith.constant 0 : index
    %get3A_4 = vector.load %arg3[%get3A_2, %get3A_3] : memref<2048x2048xbf16, #tpu.memory_space<vmem>>, vector<2048x2048xbf16>
    %dot_general3A = arith.constant dense<0.000000e+00> : vector<256x2048xf32>
    %dot_general3A_5 = tpu.matmul %get3A_1, %get3A_4, %dot_general3A {dimension_numbers = #tpu.dot_dimension_numbers<[1], [0], [0], [1], [0, 0, 1, 1], [], []>, transpose_lhs_hint = false} : vector<256x2048xbf16>, vector<2048x2048xbf16>, vector<256x2048xf32> -> vector<256x2048xf32>
    %get3A_6 = arith.constant 0 : index
    %get3A_7 = arith.constant 0 : index
    %get3A_8 = vector.load %arg5[%get3A_6, %get3A_7] : memref<2048x2048xbf16, #tpu.memory_space<vmem>>, vector<2048x2048xbf16>
    %dot_general3A_9 = arith.constant dense<0.000000e+00> : vector<256x2048xf32>
    %dot_general3A_10 = tpu.matmul %get3A_1, %get3A_8, %dot_general3A_9 {dimension_numbers = #tpu.dot_dimension_numbers<[1], [0], [0], [1], [0, 0, 1, 1], [], []>, transpose_lhs_hint = false} : vector<256x2048xbf16>, vector<2048x2048xbf16>, vector<256x2048xf32> -> vector<256x2048xf32>
    %logistic3A = arith.negf %dot_general3A_5 : vector<256x2048xf32>
    %logistic3A_11 = math.exp %logistic3A : vector<256x2048xf32>
    %logistic3A_12 = arith.constant 1.000000e+00 : f32
    %logistic3A_13 = vector.broadcast %logistic3A_12 : f32 to vector<256x2048xf32>
    %logistic3A_14 = arith.addf %logistic3A_13, %logistic3A_11 : vector<256x2048xf32>
    %logistic3A_15 = arith.divf %logistic3A_13, %logistic3A_14 : vector<256x2048xf32>
    %mul3A = arith.mulf %dot_general3A_5, %logistic3A_15 : vector<256x2048xf32>
    %mul3A_16 = arith.mulf %mul3A, %dot_general3A_10 : vector<256x2048xf32>
    %convert_element_type3A = arith.truncf %mul3A_16 : vector<256x2048xf32> to vector<256x2048xbf16>
    %get3A_17 = arith.constant 0 : index
    %get3A_18 = arith.constant 0 : index
    %get3A_19 = vector.load %arg1[%get3A_17, %get3A_18] : memref<256x2048xf32, #tpu.memory_space<vmem>>, vector<256x2048xf32>
    %get3A_20 = arith.constant 0 : index
    %get3A_21 = arith.constant 0 : index
    %get3A_22 = vector.load %arg4[%get3A_20, %get3A_21] : memref<2048x2048xbf16, #tpu.memory_space<vmem>>, vector<2048x2048xbf16>
    %dot_general3A_23 = arith.constant dense<0.000000e+00> : vector<256x2048xf32>
    %dot_general3A_24 = tpu.matmul %convert_element_type3A, %get3A_22, %dot_general3A_23 {dimension_numbers = #tpu.dot_dimension_numbers<[1], [0], [0], [1], [0, 0, 1, 1], [], []>, transpose_lhs_hint = false} : vector<256x2048xbf16>, vector<2048x2048xbf16>, vector<256x2048xf32> -> vector<256x2048xf32>
    %add3A = arith.addf %get3A_19, %dot_general3A_24 : vector<256x2048xf32>
    %swap3A = arith.constant 0 : index
    %swap3A_25 = arith.constant 0 : index
    %swap3A_26 = vector.load %arg6[%swap3A, %swap3A_25] : memref<256x2048xf32, #tpu.memory_space<vmem>>, vector<256x2048xf32>
    tpu.vector_store %arg6[%swap3A, %swap3A_25], %add3A {strides = array<i32>} : memref<256x2048xf32, #tpu.memory_space<vmem>>, vector<256x2048xf32>,
    return
  }
  func.func @transform_0(%arg0: i32) -> (i32, i32) {
    %c0_i32 = arith.constant 0 : i32
    %c0_i32_0 = arith.constant 0 : i32
    return %arg0, %c0_i32 : i32, i32
  }
  func.func @transform_1(%arg0: i32) -> (i32, i32) {
    %c0_i32 = arith.constant 0 : i32
    %c0_i32_0 = arith.constant 0 : i32
    return %arg0, %c0_i32 : i32, i32
  }
  func.func @transform_2(%arg0: i32) -> (i32, i32) {
    %c0_i32 = arith.constant 0 : i32
    %c0_i32_0 = arith.constant 0 : i32
    %c0_i32_1 = arith.constant 0 : i32
    return %c0_i32, %c0_i32_0 : i32, i32
  }
  func.func @transform_3(%arg0: i32) -> (i32, i32) {
    %c0_i32 = arith.constant 0 : i32
    %c0_i32_0 = arith.constant 0 : i32
    %c0_i32_1 = arith.constant 0 : i32
    return %c0_i32, %c0_i32_0 : i32, i32
  }
  func.func @transform_4(%arg0: i32) -> (i32, i32) {
    %c0_i32 = arith.constant 0 : i32
    %c0_i32_0 = arith.constant 0 : i32
    %c0_i32_1 = arith.constant 0 : i32
    return %c0_i32, %c0_i32_0 : i32, i32
  }
  func.func @transform_5(%arg0: i32) -> (i32, i32) {
    %c0_i32 = arith.constant 0 : i32
    %c0_i32_0 = arith.constant 0 : i32
    return %arg0, %c0_i32 : i32, i32
  }
}

module attributes {stable_mosaic.version = 14 : i64} {
  func.func @_final_kernel(%arg0: i32, %arg1: memref<256x2048xf32, #tpu.memory_space<vmem>>, %arg2: memref<256x2048xf32, #tpu.memory_space<vmem>>, %arg3: memref<256x2048xf32, #tpu.memory_space<vmem>>, %arg4: memref<256x2048xf32, #tpu.memory_space<vmem>>) attributes {dimension_semantics = [#tpu.dimension_semantics<arbitrary>], iteration_bounds = array<i64: 8>, scalar_prefetch = 0 : i64, scratch_operands = 0 : i64, tpu.core_type = #tpu.core_type<tc>, window_params = [{transform_indices = @transform_0, window_bounds = array<i64: 256, 2048>}, {transform_indices = @transform_1, window_bounds = array<i64: 256, 2048>}, {transform_indices = @transform_2, window_bounds = array<i64: 256, 2048>}, {transform_indices = @transform_3, window_bounds = array<i64: 256, 2048>}]} {
    %get3A = arith.constant 0 : index
    %get3A_0 = arith.constant 0 : index
    %get3A_1 = vector.load %arg1[%get3A, %get3A_0] : memref<256x2048xf32, #tpu.memory_space<vmem>>, vector<256x2048xf32>
    %get3A_2 = arith.constant 0 : index
    %get3A_3 = arith.constant 0 : index
    %get3A_4 = vector.load %arg2[%get3A_2, %get3A_3] : memref<256x2048xf32, #tpu.memory_space<vmem>>, vector<256x2048xf32>
    %add3A = arith.addf %get3A_1, %get3A_4 : vector<256x2048xf32>
    %get3A_5 = arith.constant 0 : index
    %get3A_6 = arith.constant 0 : index
    %get3A_7 = vector.load %arg3[%get3A_5, %get3A_6] : memref<256x2048xf32, #tpu.memory_space<vmem>>, vector<256x2048xf32>
    %add3A_8 = arith.addf %add3A, %get3A_7 : vector<256x2048xf32>
    %swap3A = arith.constant 0 : index
    %swap3A_9 = arith.constant 0 : index
    %swap3A_10 = vector.load %arg4[%swap3A, %swap3A_9] : memref<256x2048xf32, #tpu.memory_space<vmem>>, vector<256x2048xf32>
    tpu.vector_store %arg4[%swap3A, %swap3A_9], %add3A_8 {strides = array<i32>} : memref<256x2048xf32, #tpu.memory_space<vmem>>, vector<256x2048xf32>,
    return
  }
  func.func @transform_0(%arg0: i32) -> (i32, i32) {
    %c0_i32 = arith.constant 0 : i32
    %c0_i32_0 = arith.constant 0 : i32
    return %arg0, %c0_i32 : i32, i32
  }
  func.func @transform_1(%arg0: i32) -> (i32, i32) {
    %c0_i32 = arith.constant 0 : i32
    %c0_i32_0 = arith.constant 0 : i32
    return %arg0, %c0_i32 : i32, i32
  }
  func.func @transform_2(%arg0: i32) -> (i32, i32) {
    %add3A = arith.constant 8 : i32
    %add3A_0 = arith.addi %add3A, %arg0 : i32
    %c0_i32 = arith.constant 0 : i32
    %c0_i32_1 = arith.constant 0 : i32
    return %add3A_0, %c0_i32 : i32, i32
  }
  func.func @transform_3(%arg0: i32) -> (i32, i32) {
    %c0_i32 = arith.constant 0 : i32
    %c0_i32_0 = arith.constant 0 : i32
    return %arg0, %c0_i32 : i32, i32
  }
}

</mosaic_0001>

<sc_bundles>
// kernel: kernel.11.cloned.1.call-start
scs
__scs_entry_jumppad:
0x0: {  	(pc) =	sbr.rel $0x88, $3  }
0x1: {  	(tag) =	ssettag $0x0;
	lr =	simm.s32 $0x1  }
0x2: {  	[smem:$0x3F90] =	sst lr;
	_ =	strace $0xD0000000  }
0x3: {  	_ = 	snop  }
0x4: {  	_ = 	snop  }
0x5: {  	_ = 	snop  }
0x6: {  	_ = 	snop  }
0x7: {  	_ = 	snop  }
__scs_overlays_trampoline_lowered:
0x8: {  	[smem:$0x3F9F] =	sst s0  }
0x9: {  	[smem:$0x3FA0] =	sst s1  }
0xa: {  	[smem:$0x3FA1] =	sst s2  }
0xb: {  	[smem:$0x3FA2] =	sst s3  }
0xc: {  	[smem:$0x3FA3] =	sst s4  }
0xd: {  	[smem:$0x3FA4] =	sst s5  }
0xe: {  	[smem:$0x3FA5] =	sst s6  }
0xf: {  	[smem:$0x3FA6] =	sst s7  }
0x10: {  	[smem:$0x3FA7] =	sst s8  }
0x11: {  	[smem:$0x3FA8] =	sst s9;
	s0 =	simm.s32 @!p0 $0x0  }
0x12: {  	s1 =	sld [smem:$0x3F8E];
	s0 =	simm.s32 @p0 $0x1  }
0x13: {  	[smem:$0x3FA9] =	sst s0;
	s0 =	simm.s32 @!p1 $0x0  }
0x14: {  	s2 =	sld [smem:$0x3F8D];
	s0 =	simm.s32 @p1 $0x1  }
0x15: {  	[smem:$0x3FAA] =	sst s0;
	s0 =	simm.s32 @!p2 $0x0  }
0x16: {  	s3 =	sld [smem:$0x3FDB];
	s0 =	simm.s32 @p2 $0x1  }
0x17: {  	s4 =	simm.s32 $0x1BF5;
	[smem:$0x3FAC] =	sst s0  }
0x18: {  	s0 =	sld [smem:$0x3F8F];
	_ =	swait.ge [sflag:s4], $0x0  }
0x19: {  	s7 =	sld [smem:$0x3F90]  }
0x1a: {  	s8 =	sadd.s32 $0xFFFFE003, lr  }
0x1b: {  	s9 =	sadd.s32 $0xFFFFFEF7, lr;
	s5 =	simm.s32 $0xFFFFFFFF;
	p2 =	slt.u32 s8, $0xFFFFF086  }
0x1c: {  	p1 =	slt.u32 s9, $0xF7A;
	s5 =	simm.s32 @!p2 $0x0  }
0x1d: {  	s5 =	simm.s32 @p1 $0x1;
	p0 =	seq.s32 s7, s2  }
0x1e: {  	s7 =	smul.u32 @!p0 $0xF7A, s2;
	p2 =	seq.s32 @!p0 s5, $0x0  }
0x1f: {  	s9 =	smul.u32 $0xF7A, s1;
	s8 =	simm.s32 @!p0 $0x1BF5;
	p2 =	por !p2, p0  }
0x20: {  	[sflag:s8] =	ssyncset.s32 @!p0 $0xFFFFF086;
	s6 =	sadd.s32 @!p0 s3, s7;
	s7 =	simm.s32 @!p0 $0x108  }
0x21: {  	s3 =	sadd.s32 s3, s9;
	s6 =	sadd.s32 @!p0 $0x88, s6;
	s7 =	simm.s32 @p2 $0x1082  }
0x22: {  	[simem:s7], [sflag:s8] =	dma.local @!p0 [hbm:s6], $0xF7A  }
0x23: {  	s9 =	sor.u32 $0xD0000000, s2;
	s6 =	simm.s32 $0x108;
	_ =	swait.ge @!p0 [sflag:s8], $0x0  }
0x24: {  	s3 =	sadd.s32 $0x88, s3;
	s6 =	simm.s32 @!p1 $0x1082;
	[sflag:s4] =	ssyncset.s32 $0xFFFFF086  }
0x25: {  	[simem:s6], [sflag:s4] =	dma.local [hbm:s3], $0xF7A  }
0x26: {  	[smem:$0x3F90] =	sst s1;
	(tag) =	ssettag s2;
	_ =	strace s9  }
0x27: {  	s1 =	sld [smem:$0x3FA0]  }
0x28: {  	s2 =	sld [smem:$0x3FA1]  }
0x29: {  	s4 =	sld [smem:$0x3FA3]  }
0x2a: {  	p0 =	seq.s32 s5, $0x0;
	s5 =	sld [smem:$0x3FA4]  }
0x2b: {  	s6 =	sld [smem:$0x3FA5]  }
0x2c: {  	s7 =	sld [smem:$0x3FA6]  }
0x2d: {  	s3 =	simm.s32 $0x108;
	s8 =	sld [smem:$0x3FA7]  }
0x2e: {  	s3 =	simm.s32 @!p0 $0x1082;
	s9 =	sld [smem:$0x3FA8]  }
0x2f: {  	lr =	sadd.s32 s0, s3;
	s0 =	sld [smem:$0x3F9F]  }
0x30: {  	s3 =	sld [smem:$0x3FA2]  }
0x31: {  	[smem:$0x3FAB] =	sst s10  }
0x32: {  	s10 =	sld [smem:$0x3FA9];
	_ =	sdelay $0x3  }
0x33: {  	p0 =	seq.s32 s10, $0x1;
	s10 =	sld [smem:$0x3FAB];
	_ =	sdelay $0x3  }
0x34: {  	[smem:$0x3FAB] =	sst s10  }
0x35: {  	s10 =	sld [smem:$0x3FAA];
	_ =	sdelay $0x3  }
0x36: {  	p1 =	seq.s32 s10, $0x1;
	s10 =	sld [smem:$0x3FAB];
	_ =	sdelay $0x3  }
0x37: {  	[smem:$0x3FAB] =	sst s10  }
0x38: {  	s10 =	sld [smem:$0x3FAC]  }
0x39: {  	_ = 	snop;
	(pc) =	sbr.ind lr, $3  }
0x3a: {  	_ = 	snop  }
0x3b: {  	_ = 	snop  }
0x3c: {  	p2 =	seq.s32 s10, $0x1;
	s10 =	sld [smem:$0x3FAB]  }
0x3d: {  	_ =	shalt  }
0x3e: {  	_ =	shalt  }
0x3f: {  	_ =	shalt  }
0x40: {  	_ =	shalt  }
0x41: {  	_ =	shalt  }
0x42: {  	_ =	shalt  }
0x43: {  	_ =	shalt  }
0x44: {  	_ =	shalt  }
0x45: {  	_ =	shalt  }
0x46: {  	_ =	shalt  }
0x47: {  	_ =	shalt  }
0x48: {  	_ =	shalt  }
0x49: {  	_ =	shalt  }
0x4a: {  	_ =	shalt  }
0x4b: {  	_ =	shalt  }
0x4c: {  	_ =	shalt  }
0x4d: {  	_ =	shalt  }
0x4e: {  	_ =	shalt  }
0x4f: {  	_ =	shalt  }
0x50: {  	_ =	shalt  }
0x51: {  	_ =	shalt  }
0x52: {  	_ =	shalt  }
0x53: {  	_ =	shalt  }
0x54: {  	_ =	shalt  }
0x55: {  	_ =	shalt  }
0x56: {  	_ =	shalt  }
0x57: {  	_ =	shalt  }
0x58: {  	_ =	shalt  }
0x59: {  	_ =	shalt  }
0x5a: {  	_ =	shalt  }
0x5b: {  	_ =	shalt  }
0x5c: {  	_ =	shalt  }
0x5d: {  	_ =	shalt  }
0x5e: {  	_ =	shalt  }
0x5f: {  	_ =	shalt  }
0x60: {  	_ =	shalt  }
0x61: {  	_ =	shalt  }
0x62: {  	_ =	shalt  }
0x63: {  	_ =	shalt  }
0x64: {  	_ =	shalt  }
0x65: {  	_ =	shalt  }
0x66: {  	_ =	shalt  }
0x67: {  	_ =	shalt  }
0x68: {  	_ =	shalt  }
0x69: {  	_ =	shalt  }
0x6a: {  	_ =	shalt  }
0x6b: {  	_ =	shalt  }
0x6c: {  	_ =	shalt  }
0x6d: {  	_ =	shalt  }
0x6e: {  	_ =	shalt  }
0x6f: {  	_ =	shalt  }
0x70: {  	_ =	shalt  }
0x71: {  	_ =	shalt  }
0x72: {  	_ =	shalt  }
0x73: {  	_ =	shalt  }
0x74: {  	_ =	shalt  }
0x75: {  	_ =	shalt  }
0x76: {  	_ =	shalt  }
0x77: {  	_ =	shalt  }
0x78: {  	_ =	shalt  }
0x79: {  	_ =	shalt  }
0x7a: {  	_ =	shalt  }
0x7b: {  	_ =	shalt  }
0x7c: {  	_ =	shalt  }
0x7d: {  	_ =	shalt  }
0x7e: {  	_ =	shalt  }
0x7f: {  	_ =	shalt  }
0x80: {  	_ =	shalt  }
0x81: {  	_ =	shalt  }
0x82: {  	_ =	shalt  }
0x83: {  	_ =	shalt  }
0x84: {  	_ =	shalt  }
0x85: {  	_ =	shalt  }
0x86: {  	_ =	shalt  }
0x87: {  	_ =	shalt  }
.Lfunc_end0:
.L_simem_size_0:
called_computation_lowered:
.L_overlay_start_0:
0x88: {  	s2 =	sld [smem:$0x3FD9]  }
0x89: {  	s3 =	sld [smem:$0x3FFE];
	_ =	sdelay $0x1  }
0x8a: {  	s1 =	srdreg.scid  }
0x8b: {  	s0 =	sand.u32 $0x1, s1  }
0x8c: {  	s16 =	sshll.u32 s0, $0xA;
	s2 =	sadd.s32 s3, s2  }
0x8d: {  	s2 =	sadd.s32 s2, s16  }
0x8e: {  	[smem:$0x3FB7] =	sst s2  }
0x8f: {  	_ = 	snop  }
0x90: {  	(tm) =	ssettm $0x1  }
0x91: {  	s17 =	sld [smem:$0x3FFB];
	_ =	sdelay $0x3  }
0x92: {  	_ =	strace s17  }
0x93: {  	s2 =	sld [smem:$0x3FFC];
	_ =	sdelay $0x3  }
0x94: {  	_ =	strace s2  }
0x95: {  	s2 =	sld [smem:$0x3FFD];
	_ =	sdelay $0x3  }
0x96: {  	_ =	strace s2  }
0x97: {  	_ =	strace $0x8FFFFFFF  }
0x98: {  	s18 =	sld [smem:$0x3FDB];
	_ =	sdelay $0x1  }
0x99: {  	s19 =	simm.s32 $_scs_section_size  }
0x9a: {  	s4 =	simm.s32 $_size__tile_overlayer_lowered;
	s5 =	simm.s32 $_tile_overlayer_lowered  }
0x9b: {  	s22 =	simm.s32 $0x1BFF;
	s21 =	sshll.u32 s5, $0x1;
	s2 =	sadd.s32 s19, s18  }
0x9c: {  	s6 =	simm.s32 $0x0;
	s20 =	sshll.u32 s4, $0x1;
	s4 =	sadd.s32 s21, s2  }
0x9d: {  	[timem:s6], [sflag:s22] =	dma.local [hbm:s4], s20  }
0x9e: {  	_ =	swait.ge [sflag:s22], s20  }
0x9f: {  	s3 =	ssub.s32 $0x0, s20;
	[sflag:s22] =	ssyncset.done $0x0  }
0xa0: {  	[sflag:s22] =	ssyncadd.s32 s3;
	_ =	sdelay $0x1  }
0xa1: {  	s23 =	simm.s32 $0x1B8B  }
0xa2: {  	_ =	swait.ge [sflag:s23], $0x1  }
0xa3: {  	[sflag:s23] =	ssyncset.done $0x0  }
0xa4: {  	s25 =	simm.s32 $0x1B8E;
	s24 =	sld [smem:$0x3FFE];
	[sflag:s23] =	ssyncadd.s32 $0xFFFFFFFF  }
0xa5: {  	s26 =	simm.s32 $execute0_lowered;
	[smem:$0x3FD2] =	sst s25  }
0xa6: {  	s4 =	sshll.u32 s26, $0x1;
	_ =	strace $0x80000046;
	[dreg:$0x1] =	wrdreg $0xFFFFFFFF  }
0xa7: {  	s28 =	simm.s32 $_size_execute0_lowered;
	s2 =	sadd.s32 s2, s4;
	[dreg:$0x0] =	wrdreg $0x0  }
0xa8: {  	s4 =	sshll.u32 s28, $0x1;
	[dreg:$0x2] =	wrdreg s2  }
0xa9: {  	[dreg:$0x3] =	wrdreg s4  }
0xaa: {  	[dreg:$0x4] =	wrdreg $0xC0  }
0xab: {  	_ =	task [dreg:s6], $0x5FFFF  }
0xac: {  	[dreg:$0x1] =	wrdreg $0xFFFFFFFF  }
0xad: {  	[dreg:$0x0] =	wrdreg $0x60  }
0xae: {  	[dreg:$0x2] =	wrdreg s24  }
0xaf: {  	[dreg:$0x3] =	wrdreg $0x9  }
0xb0: {  	_ =	task.clear_ibuf [dreg:s6], $0x4FFFF;
	_ =	strace $0x90000046  }
0xb1: {  	s29 =	simm.s32 $0x9;
	_ =	strace $0x80000048  }
0xb2: {  	_ =	swait.ge [sflag:s29], $0x1  }
0xb3: {  	[sflag:s29] =	ssyncadd.s32 $0xFFFFFFFF  }
0xb4: {  	_ =	strace $0x90000048  }
0xb5: {  	_ =	sfence  }
0xb6: {  	s30 =	sld [smem:$0x0];
	_ =	sdelay $0x2  }
0xb7: {  	s31 =	sshll.u32 s1, $0xD;
	s1 =	sshrl.u32 s1, $0x2  }
0xb8: {  	s3 =	sand.u32 $0x4000, s31;
	s1 =	sadd.s32 s1, s30  }
0xb9: {  	s0 =	sor.u32 s3, s0;
	s1 =	sshll.u32 s1, $0x11  }
0xba: {  	s0 =	sor.u32 s1, s0  }
0xbb: {  	s0 =	sadd.s32 $0x8F2B, s0  }
0xbc: {  	[sflag:s0] =	ssyncadd.remote.s32 $0x1  }
0xbd: {  	_ =	sfence.sel $0xFFFF  }
0xbe: {  	[dreg:$0x0] =	wrdreg $0xFFFFFFFF;
	(pc) =	sbr.abs _section_cstart, $3  }
0xbf: {  	[dreg:$0x1] =	wrdreg $0xFFFFFFFF  }
0xc0: {  	_ =	task.clear_ibuf [dreg:s6], $0x2FFFF;
	_ =	strace $0x9FFFFFFF  }
0xc1: {  	(tm) =	ssettm $0x7FFFFFFF  }
tec
execute0_lowered:
.L_overlay_start_1:
0x0: {  	(tag) =	ssettag $0x1  }
0x1: {  	s0 =	srdreg.scid  }
0x2: {  	s2 =	stileid.u32;
	s1 =	rddreg [dreg:$0x0]  }
0x3: {  	s12 =	simm.s32 $0x3;
	s13 =	simm.s32 $0x80;
	s30 =	simm.s32 $0x8080  }
0x4: {  	s28 =	simm.s32 $0x2;
	s31 =	simm.s32 $0x880;
	s14 =	simm.s32 $0x2080  }
0x5: {  	s15 =	simm.s32 $0x2880;
	s16 =	simm.s32 $0x3080;
	s17 =	simm.s32 $0x3880  }
0x6: {  	s18 =	simm.s32 $0x4080;
	s19 =	simm.s32 $0x4880;
	s20 =	simm.s32 $0x5080  }
0x7: {  	s21 =	simm.s32 $0x5880;
	s22 =	simm.s32 $0x6080;
	s0 =	sand.u32 $0x1, s0  }
0x8: {  	s3 =	sshll.u32 s2, $0x8;
	s2 =	simm.s32 $0x0;
	s4 =	sshll.u32 s0, $0x7  }
0x9: {  	s23 =	simm.s32 $0x6880;
	[smem:$0x7FF] =	sst s2;
	s3 =	sor.u32 s4, s3  }
0xa: {  	s0 =	ssub.s32 $0x2, s0;
	_ =	strace $0x80000047;
	s4 =	sshrl.u32 s3, $0x3  }
0xb: {  	s25 =	sshrl.u32 s0, $0x1;
	s5 =	sshll.u32 s3, $0x8;
	s4 =	sadd.s32 s4, s1  }
0xc: {  	s3 =	sadd.s32 $0x343000, s1;
	s9 =	sadd.s32 s5, s1;
	s4 =	sadd.s32 $0x342E00, s4  }
0xd: {  	s0 =	ssub.s32 s0, s25;
	s24 =	sadd.s32 $0x2E00, s9;
	[dreg:$0x2] =	wrdreg s4  }
0xe: {  	s25 =	simm.s32 $0x7880;
	s26 =	sadd.s32 $0x3E00, s9;
	[dreg:$0x3] =	wrdreg s24  }
0xf: {  	s5 =	sadd.s32 $0x343200, s1;
	s29 =	sadd.s32 $0x4E00, s9;
	[dreg:$0x4] =	wrdreg s26  }
0x10: {  	s6 =	sadd.s32 $0x5E00, s9;
	s7 =	sadd.s32 $0x6E00, s9;
	[dreg:$0x5] =	wrdreg s29  }
0x11: {  	s8 =	sadd.s32 $0x7E00, s9;
	s10 =	sadd.s32 $0x8E00, s9;
	[dreg:$0x6] =	wrdreg s6  }
0x12: {  	s11 =	sadd.s32 $0x9E00, s9;
	s9 =	sadd.s32 $0x343600, s1;
	[dreg:$0x7] =	wrdreg s7  }
0x13: {  	s4 =	sadd.s32 $0x343100, s1;
	s6 =	sadd.s32 $0x343300, s1;
	[dreg:$0x8] =	wrdreg s8  }
0x14: {  	v2 =	vlaneseq.u32;
	s7 =	sadd.s32 $0x343400, s1;
	s8 =	sadd.s32 $0x343500, s1;
	[dreg:$0x9] =	wrdreg s10  }
0x15: {  	vm0 =	vmmov $0xffff;
	v1 =	vshrl.u32 v2, $0x3;
	s10 =	sadd.s32 $0x343700, s1;
	[dreg:$0xa] =	wrdreg s11;
	s11 =	smax.u32 s0, $0x1  }
0x16: {  	v0 =	vand.u32 $0x7, v2;
	v2 =	vor.u32 $0x8, v2;
	v1 =	vmul.u32 $0x8, v1;
	s26 =	simm.s32 $0x1;
	s1 =	simm.s32 $0x1080;
	s24 =	simm.s32 $0x7080  }
.LBB2_1:
0x17: {  	s29 =	rddreg [dreg:$0x2]  }
0x18: {  	[tilespmem:s2], [sflag:$0x3] =	stream.linear.gather [hbm4b:s29+s2], $0x80, $0x38;
	[tilespmem:$0x10080] =	vst v63  }
0x19: {  	_ =	swait.ge [sflag:s12], $0x80  }
0x1a: {  	[sflag:s12] =	ssyncset.done $0x0  }
0x1b: {  	[sflag:s12] =	ssyncadd.s32 $0xFFFFFF80  }
0x1c: {  	v3 =	vld [tilespmem:$0x0];
	_ =	sdelay $0x4  }
0x1d: {  	v4 =	vshll.u32 v3, $0x4  }
0x1e: {  	v3 =	vand.u32 $0x7, v3;
	v4 =	vand.u32 $0xFFFFFF80, v4  }
0x1f: {  	v3 =	vor.u32 v3, v4  }
0x20: {  	v4 =	vperm.xlane v3, v0;
	_ =	sdelay $0x1  }
0x21: {  	v4 =	vadd.s32 v1, v4;
	_ =	sdelay $0x4  }
0x22: {  	[tilespmem:s13], [sflag:$0x1] =	stream.indirect_vreg.gather [hbm4b:s3+s2], $0x80, v4, vm0, $0xb8;
	[tilespmem:$0x10080] =	vst v63  }
0x23: {  	_ = 	snop  }
0x24: {  	[tilespmem:s31], [sflag:$0x1] =	stream.indirect_vreg.gather [hbm4b:s4+s2], $0x80, v4, vm0, $0xb8;
	[tilespmem:$0x10080] =	vst v63  }
0x25: {  	_ = 	snop  }
0x26: {  	[tilespmem:s1], [sflag:$0x1] =	stream.indirect_vreg.gather [hbm4b:s5+s2], $0x80, v4, vm0, $0xb8;
	[tilespmem:$0x10080] =	vst v63  }
0x27: {  	s0 =	simm.s32 $0x1880  }
0x28: {  	[tilespmem:s0], [sflag:$0x1] =	stream.indirect_vreg.gather [hbm4b:s6+s2], $0x80, v4, vm0, $0xb8;
	[tilespmem:$0x10080] =	vst v63  }
0x29: {  	_ = 	snop  }
0x2a: {  	[tilespmem:s14], [sflag:$0x1] =	stream.indirect_vreg.gather [hbm4b:s7+s2], $0x80, v4, vm0, $0xb8;
	[tilespmem:$0x10080] =	vst v63  }
0x2b: {  	v3 =	vperm.xlane v3, v2  }
0x2c: {  	[tilespmem:s15], [sflag:$0x1] =	stream.indirect_vreg.gather [hbm4b:s8+s2], $0x80, v4, vm0, $0xb8;
	[tilespmem:$0x10080] =	vst v63  }
0x2d: {  	v3 =	vadd.s32 v1, v3  }
0x2e: {  	[tilespmem:s16], [sflag:$0x1] =	stream.indirect_vreg.gather [hbm4b:s9+s2], $0x80, v4, vm0, $0xb8;
	[tilespmem:$0x10080] =	vst v63  }
0x2f: {  	_ = 	snop  }
0x30: {  	[tilespmem:s17], [sflag:$0x1] =	stream.indirect_vreg.gather [hbm4b:s10+s2], $0x80, v4, vm0, $0xb8;
	[tilespmem:$0x10080] =	vst v63  }
0x31: {  	_ = 	snop  }
0x32: {  	[tilespmem:s18], [sflag:$0x1] =	stream.indirect_vreg.gather [hbm4b:s3+s2], $0x80, v3, vm0, $0xb8;
	[tilespmem:$0x10080] =	vst v63  }
0x33: {  	_ = 	snop  }
0x34: {  	[tilespmem:s19], [sflag:$0x1] =	stream.indirect_vreg.gather [hbm4b:s4+s2], $0x80, v3, vm0, $0xb8;
	[tilespmem:$0x10080] =	vst v63  }
0x35: {  	_ = 	snop  }
0x36: {  	[tilespmem:s20], [sflag:$0x1] =	stream.indirect_vreg.gather [hbm4b:s5+s2], $0x80, v3, vm0, $0xb8;
	[tilespmem:$0x10080] =	vst v63  }
0x37: {  	_ = 	snop  }
0x38: {  	[tilespmem:s21], [sflag:$0x1] =	stream.indirect_vreg.gather [hbm4b:s6+s2], $0x80, v3, vm0, $0xb8;
	[tilespmem:$0x10080] =	vst v63  }
0x39: {  	_ = 	snop  }
0x3a: {  	[tilespmem:s22], [sflag:$0x1] =	stream.indirect_vreg.gather [hbm4b:s7+s2], $0x80, v3, vm0, $0xb8;
	[tilespmem:$0x10080] =	vst v63  }
0x3b: {  	_ = 	snop  }
0x3c: {  	[tilespmem:s23], [sflag:$0x1] =	stream.indirect_vreg.gather [hbm4b:s8+s2], $0x80, v3, vm0, $0xb8;
	[tilespmem:$0x10080] =	vst v63  }
0x3d: {  	_ = 	snop  }
0x3e: {  	[tilespmem:s24], [sflag:$0x1] =	stream.indirect_vreg.gather [hbm4b:s9+s2], $0x80, v3, vm0, $0xb8;
	[tilespmem:$0x10080] =	vst v63  }
0x3f: {  	_ = 	snop  }
0x40: {  	[tilespmem:s25], [sflag:$0x1] =	stream.indirect_vreg.gather [hbm4b:s10+s2], $0x80, v3, vm0, $0xb8;
	[tilespmem:$0x10080] =	vst v63  }
0x41: {  	v3 =	vld [tilespmem:$0x10];
	_ =	sdelay $0x4  }
0x42: {  	v57 =	vshll.u32 v3, $0x4  }
0x43: {  	v3 =	vand.u32 $0x7, v3;
	v4 =	vand.u32 $0xFFFFFF80, v57  }
0x44: {  	v3 =	vor.u32 v3, v4  }
0x45: {  	v4 =	vperm.xlane v3, v0;
	_ =	sdelay $0x1  }
0x46: {  	v4 =	vadd.s32 v1, v4;
	_ =	sdelay $0x4  }
0x47: {  	[tilespmem:s30], [sflag:$0x2] =	stream.indirect_vreg.gather [hbm4b:s3+s2], $0x80, v4, vm0, $0xb8;
	[tilespmem:$0x10080] =	vst v63  }
0x48: {  	s29 =	simm.s32 $0x8880  }
0x49: {  	[tilespmem:s29], [sflag:$0x2] =	stream.indirect_vreg.gather [hbm4b:s4+s2], $0x80, v4, vm0, $0xb8;
	[tilespmem:$0x10080] =	vst v63  }
0x4a: {  	s29 =	simm.s32 $0x9080  }
0x4b: {  	[tilespmem:s29], [sflag:$0x2] =	stream.indirect_vreg.gather [hbm4b:s5+s2], $0x80, v4, vm0, $0xb8;
	[tilespmem:$0x10080] =	vst v63  }
0x4c: {  	s29 =	simm.s32 $0x9880  }
0x4d: {  	[tilespmem:s29], [sflag:$0x2] =	stream.indirect_vreg.gather [hbm4b:s6+s2], $0x80, v4, vm0, $0xb8;
	[tilespmem:$0x10080] =	vst v63  }
0x4e: {  	s29 =	simm.s32 $0xA080  }
0x4f: {  	[tilespmem:s29], [sflag:$0x2] =	stream.indirect_vreg.gather [hbm4b:s7+s2], $0x80, v4, vm0, $0xb8;
	[tilespmem:$0x10080] =	vst v63  }
0x50: {  	v3 =	vperm.xlane v3, v2;
	s29 =	simm.s32 $0xA880  }
0x51: {  	[tilespmem:s29], [sflag:$0x2] =	stream.indirect_vreg.gather [hbm4b:s8+s2], $0x80, v4, vm0, $0xb8;
	[tilespmem:$0x10080] =	vst v63  }
0x52: {  	v3 =	vadd.s32 v1, v3;
	s29 =	simm.s32 $0xB080  }
0x53: {  	[tilespmem:s29], [sflag:$0x2] =	stream.indirect_vreg.gather [hbm4b:s9+s2], $0x80, v4, vm0, $0xb8;
	[tilespmem:$0x10080] =	vst v63  }
0x54: {  	s29 =	simm.s32 $0xB880  }
0x55: {  	[tilespmem:s29], [sflag:$0x2] =	stream.indirect_vreg.gather [hbm4b:s10+s2], $0x80, v4, vm0, $0xb8;
	[tilespmem:$0x10080] =	vst v63  }
0x56: {  	s29 =	simm.s32 $0xC080  }
0x57: {  	[tilespmem:s29], [sflag:$0x2] =	stream.indirect_vreg.gather [hbm4b:s3+s2], $0x80, v3, vm0, $0xb8;
	[tilespmem:$0x10080] =	vst v63  }
0x58: {  	s29 =	simm.s32 $0xC880  }
0x59: {  	[tilespmem:s29], [sflag:$0x2] =	stream.indirect_vreg.gather [hbm4b:s4+s2], $0x80, v3, vm0, $0xb8;
	[tilespmem:$0x10080] =	vst v63  }
0x5a: {  	s29 =	simm.s32 $0xD080  }
0x5b: {  	[tilespmem:s29], [sflag:$0x2] =	stream.indirect_vreg.gather [hbm4b:s5+s2], $0x80, v3, vm0, $0xb8;
	[tilespmem:$0x10080] =	vst v63  }
0x5c: {  	s29 =	simm.s32 $0xD880  }
0x5d: {  	[tilespmem:s29], [sflag:$0x2] =	stream.indirect_vreg.gather [hbm4b:s6+s2], $0x80, v3, vm0, $0xb8;
	[tilespmem:$0x10080] =	vst v63  }
0x5e: {  	s29 =	simm.s32 $0xE080  }
0x5f: {  	[tilespmem:s29], [sflag:$0x2] =	stream.indirect_vreg.gather [hbm4b:s7+s2], $0x80, v3, vm0, $0xb8;
	[tilespmem:$0x10080] =	vst v63  }
0x60: {  	s29 =	simm.s32 $0xE880  }
0x61: {  	[tilespmem:s29], [sflag:$0x2] =	stream.indirect_vreg.gather [hbm4b:s8+s2], $0x80, v3, vm0, $0xb8;
	[tilespmem:$0x10080] =	vst v63  }
0x62: {  	s29 =	simm.s32 $0xF080  }
0x63: {  	[tilespmem:s29], [sflag:$0x2] =	stream.indirect_vreg.gather [hbm4b:s9+s2], $0x80, v3, vm0, $0xb8;
	[tilespmem:$0x10080] =	vst v63  }
0x64: {  	s29 =	simm.s32 $0xF880  }
0x65: {  	[tilespmem:s29], [sflag:$0x2] =	stream.indirect_vreg.gather [hbm4b:s10+s2], $0x80, v3, vm0, $0xb8;
	[tilespmem:$0x10080] =	vst v63  }
0x66: {  	_ =	swait.ge [sflag:s26], $0x8000  }
0x67: {  	[sflag:s26] =	ssyncset.done $0x0  }
0x68: {  	s29 =	rddreg [dreg:$0x3];
	[sflag:s26] =	ssyncadd.s32 $0xFFFF8000  }
0x69: {  	[hbm4b:s29+s2] =	stream.linear.scatter [tilespmem:s13], [sflag:$0x3], $0x8000, $0x38;
	[tilespmem:$0x10080] =	vst v63  }
0x6a: {  	_ =	swait.ge [sflag:s12], $0x8000  }
0x6b: {  	[sflag:s12] =	ssyncset.done $0x0  }
0x6c: {  	[sflag:s12] =	ssyncadd.s32 $0xFFFF8000  }
0x6d: {  	v3 =	vld [tilespmem:$0x20];
	_ =	sdelay $0x4  }
0x6e: {  	v58 =	vshll.u32 v3, $0x4  }
0x6f: {  	v3 =	vand.u32 $0x7, v3;
	v4 =	vand.u32 $0xFFFFFF80, v58  }
0x70: {  	v3 =	vor.u32 v3, v4  }
0x71: {  	v4 =	vperm.xlane v3, v0;
	_ =	sdelay $0x1  }
0x72: {  	v4 =	vadd.s32 v1, v4;
	_ =	sdelay $0x4  }
0x73: {  	[tilespmem:s13], [sflag:$0x1] =	stream.indirect_vreg.gather [hbm4b:s3+s2], $0x80, v4, vm0, $0xb8;
	[tilespmem:$0x10080] =	vst v63  }
0x74: {  	_ = 	snop  }
0x75: {  	[tilespmem:s31], [sflag:$0x1] =	stream.indirect_vreg.gather [hbm4b:s4+s2], $0x80, v4, vm0, $0xb8;
	[tilespmem:$0x10080] =	vst v63  }
0x76: {  	_ = 	snop  }
0x77: {  	[tilespmem:s1], [sflag:$0x1] =	stream.indirect_vreg.gather [hbm4b:s5+s2], $0x80, v4, vm0, $0xb8;
	[tilespmem:$0x10080] =	vst v63  }
0x78: {  	_ = 	snop  }
0x79: {  	[tilespmem:s0], [sflag:$0x1] =	stream.indirect_vreg.gather [hbm4b:s6+s2], $0x80, v4, vm0, $0xb8;
	[tilespmem:$0x10080] =	vst v63  }
0x7a: {  	_ = 	snop  }
0x7b: {  	[tilespmem:s14], [sflag:$0x1] =	stream.indirect_vreg.gather [hbm4b:s7+s2], $0x80, v4, vm0, $0xb8;
	[tilespmem:$0x10080] =	vst v63  }
0x7c: {  	v3 =	vperm.xlane v3, v2  }
0x7d: {  	[tilespmem:s15], [sflag:$0x1] =	stream.indirect_vreg.gather [hbm4b:s8+s2], $0x80, v4, vm0, $0xb8;
	[tilespmem:$0x10080] =	vst v63  }
0x7e: {  	v3 =	vadd.s32 v1, v3  }
0x7f: {  	[tilespmem:s16], [sflag:$0x1] =	stream.indirect_vreg.gather [hbm4b:s9+s2], $0x80, v4, vm0, $0xb8;
	[tilespmem:$0x10080] =	vst v63  }
0x80: {  	_ = 	snop  }
0x81: {  	[tilespmem:s17], [sflag:$0x1] =	stream.indirect_vreg.gather [hbm4b:s10+s2], $0x80, v4, vm0, $0xb8;
	[tilespmem:$0x10080] =	vst v63  }
0x82: {  	_ = 	snop  }
0x83: {  	[tilespmem:s18], [sflag:$0x1] =	stream.indirect_vreg.gather [hbm4b:s3+s2], $0x80, v3, vm0, $0xb8;
	[tilespmem:$0x10080] =	vst v63  }
0x84: {  	_ = 	snop  }
0x85: {  	[tilespmem:s19], [sflag:$0x1] =	stream.indirect_vreg.gather [hbm4b:s4+s2], $0x80, v3, vm0, $0xb8;
	[tilespmem:$0x10080] =	vst v63  }
0x86: {  	_ = 	snop  }
0x87: {  	[tilespmem:s20], [sflag:$0x1] =	stream.indirect_vreg.gather [hbm4b:s5+s2], $0x80, v3, vm0, $0xb8;
	[tilespmem:$0x10080] =	vst v63  }
0x88: {  	_ = 	snop  }
0x89: {  	[tilespmem:s21], [sflag:$0x1] =	stream.indirect_vreg.gather [hbm4b:s6+s2], $0x80, v3, vm0, $0xb8;
	[tilespmem:$0x10080] =	vst v63  }
0x8a: {  	_ = 	snop  }
0x8b: {  	[tilespmem:s22], [sflag:$0x1] =	stream.indirect_vreg.gather [hbm4b:s7+s2], $0x80, v3, vm0, $0xb8;
	[tilespmem:$0x10080] =	vst v63  }
0x8c: {  	_ = 	snop  }
0x8d: {  	[tilespmem:s23], [sflag:$0x1] =	stream.indirect_vreg.gather [hbm4b:s8+s2], $0x80, v3, vm0, $0xb8;
	[tilespmem:$0x10080] =	vst v63  }
0x8e: {  	_ = 	snop  }
0x8f: {  	[tilespmem:s24], [sflag:$0x1] =	stream.indirect_vreg.gather [hbm4b:s9+s2], $0x80, v3, vm0, $0xb8;
	[tilespmem:$0x10080] =	vst v63  }
0x90: {  	_ = 	snop  }
0x91: {  	[tilespmem:s25], [sflag:$0x1] =	stream.indirect_vreg.gather [hbm4b:s10+s2], $0x80, v3, vm0, $0xb8;
	[tilespmem:$0x10080] =	vst v63  }
0x92: {  	_ =	swait.ge [sflag:s28], $0x8000  }
0x93: {  	[sflag:s28] =	ssyncset.done $0x0  }
0x94: {  	s29 =	rddreg [dreg:$0x4];
	[sflag:s28] =	ssyncadd.s32 $0xFFFF8000  }
0x95: {  	[hbm4b:s29+s2] =	stream.linear.scatter [tilespmem:s30], [sflag:$0x3], $0x8000, $0x38;
	[tilespmem:$0x10080] =	vst v63  }
0x96: {  	_ =	swait.ge [sflag:s12], $0x8000  }
0x97: {  	[sflag:s12] =	ssyncset.done $0x0  }
0x98: {  	[sflag:s12] =	ssyncadd.s32 $0xFFFF8000  }
0x99: {  	v3 =	vld [tilespmem:$0x30];
	_ =	sdelay $0x4  }
0x9a: {  	v59 =	vshll.u32 v3, $0x4  }
0x9b: {  	v3 =	vand.u32 $0x7, v3;
	v4 =	vand.u32 $0xFFFFFF80, v59  }
0x9c: {  	v3 =	vor.u32 v3, v4  }
0x9d: {  	v4 =	vperm.xlane v3, v0;
	_ =	sdelay $0x1  }
0x9e: {  	v4 =	vadd.s32 v1, v4;
	_ =	sdelay $0x4  }
0x9f: {  	[tilespmem:s30], [sflag:$0x2] =	stream.indirect_vreg.gather [hbm4b:s3+s2], $0x80, v4, vm0, $0xb8;
	[tilespmem:$0x10080] =	vst v63  }
0xa0: {  	s29 =	simm.s32 $0x8880  }
0xa1: {  	[tilespmem:s29], [sflag:$0x2] =	stream.indirect_vreg.gather [hbm4b:s4+s2], $0x80, v4, vm0, $0xb8;
	[tilespmem:$0x10080] =	vst v63  }
0xa2: {  	s29 =	simm.s32 $0x9080  }
0xa3: {  	[tilespmem:s29], [sflag:$0x2] =	stream.indirect_vreg.gather [hbm4b:s5+s2], $0x80, v4, vm0, $0xb8;
	[tilespmem:$0x10080] =	vst v63  }
0xa4: {  	s29 =	simm.s32 $0x9880  }
0xa5: {  	[tilespmem:s29], [sflag:$0x2] =	stream.indirect_vreg.gather [hbm4b:s6+s2], $0x80, v4, vm0, $0xb8;
	[tilespmem:$0x10080] =	vst v63  }
0xa6: {  	s29 =	simm.s32 $0xA080  }
0xa7: {  	[tilespmem:s29], [sflag:$0x2] =	stream.indirect_vreg.gather [hbm4b:s7+s2], $0x80, v4, vm0, $0xb8;
	[tilespmem:$0x10080] =	vst v63  }
0xa8: {  	v3 =	vperm.xlane v3, v2;
	s29 =	simm.s32 $0xA880  }
0xa9: {  	[tilespmem:s29], [sflag:$0x2] =	stream.indirect_vreg.gather [hbm4b:s8+s2], $0x80, v4, vm0, $0xb8;
	[tilespmem:$0x10080] =	vst v63  }
0xaa: {  	v3 =	vadd.s32 v1, v3;
	s29 =	simm.s32 $0xB080  }
0xab: {  	[tilespmem:s29], [sflag:$0x2] =	stream.indirect_vreg.gather [hbm4b:s9+s2], $0x80, v4, vm0, $0xb8;
	[tilespmem:$0x10080] =	vst v63  }
0xac: {  	s29 =	simm.s32 $0xB880  }
0xad: {  	[tilespmem:s29], [sflag:$0x2] =	stream.indirect_vreg.gather [hbm4b:s10+s2], $0x80, v4, vm0, $0xb8;
	[tilespmem:$0x10080] =	vst v63  }
0xae: {  	s29 =	simm.s32 $0xC080  }
0xaf: {  	[tilespmem:s29], [sflag:$0x2] =	stream.indirect_vreg.gather [hbm4b:s3+s2], $0x80, v3, vm0, $0xb8;
	[tilespmem:$0x10080] =	vst v63  }
0xb0: {  	s29 =	simm.s32 $0xC880  }
0xb1: {  	[tilespmem:s29], [sflag:$0x2] =	stream.indirect_vreg.gather [hbm4b:s4+s2], $0x80, v3, vm0, $0xb8;
	[tilespmem:$0x10080] =	vst v63  }
0xb2: {  	s29 =	simm.s32 $0xD080  }
0xb3: {  	[tilespmem:s29], [sflag:$0x2] =	stream.indirect_vreg.gather [hbm4b:s5+s2], $0x80, v3, vm0, $0xb8;
	[tilespmem:$0x10080] =	vst v63  }
0xb4: {  	s29 =	simm.s32 $0xD880  }
0xb5: {  	[tilespmem:s29], [sflag:$0x2] =	stream.indirect_vreg.gather [hbm4b:s6+s2], $0x80, v3, vm0, $0xb8;
	[tilespmem:$0x10080] =	vst v63  }
0xb6: {  	s29 =	simm.s32 $0xE080  }
0xb7: {  	[tilespmem:s29], [sflag:$0x2] =	stream.indirect_vreg.gather [hbm4b:s7+s2], $0x80, v3, vm0, $0xb8;
	[tilespmem:$0x10080] =	vst v63  }
0xb8: {  	s29 =	simm.s32 $0xE880  }
0xb9: {  	[tilespmem:s29], [sflag:$0x2] =	stream.indirect_vreg.gather [hbm4b:s8+s2], $0x80, v3, vm0, $0xb8;
	[tilespmem:$0x10080] =	vst v63  }
0xba: {  	s29 =	simm.s32 $0xF080  }
0xbb: {  	[tilespmem:s29], [sflag:$0x2] =	stream.indirect_vreg.gather [hbm4b:s9+s2], $0x80, v3, vm0, $0xb8;
	[tilespmem:$0x10080] =	vst v63  }
0xbc: {  	s29 =	simm.s32 $0xF880  }
0xbd: {  	[tilespmem:s29], [sflag:$0x2] =	stream.indirect_vreg.gather [hbm4b:s10+s2], $0x80, v3, vm0, $0xb8;
	[tilespmem:$0x10080] =	vst v63  }
0xbe: {  	_ =	swait.ge [sflag:s26], $0x8000  }
0xbf: {  	[sflag:s26] =	ssyncset.done $0x0  }
0xc0: {  	s29 =	rddreg [dreg:$0x5];
	[sflag:s26] =	ssyncadd.s32 $0xFFFF8000  }
0xc1: {  	[hbm4b:s29+s2] =	stream.linear.scatter [tilespmem:s13], [sflag:$0x3], $0x8000, $0x38;
	[tilespmem:$0x10080] =	vst v63  }
0xc2: {  	_ =	swait.ge [sflag:s12], $0x8000  }
0xc3: {  	[sflag:s12] =	ssyncset.done $0x0  }
0xc4: {  	[sflag:s12] =	ssyncadd.s32 $0xFFFF8000  }
0xc5: {  	v3 =	vld [tilespmem:$0x40];
	_ =	sdelay $0x4  }
0xc6: {  	v60 =	vshll.u32 v3, $0x4  }
0xc7: {  	v3 =	vand.u32 $0x7, v3;
	v4 =	vand.u32 $0xFFFFFF80, v60  }
0xc8: {  	v3 =	vor.u32 v3, v4  }
0xc9: {  	v4 =	vperm.xlane v3, v0;
	_ =	sdelay $0x1  }
0xca: {  	v4 =	vadd.s32 v1, v4;
	_ =	sdelay $0x4  }
0xcb: {  	[tilespmem:s13], [sflag:$0x1] =	stream.indirect_vreg.gather [hbm4b:s3+s2], $0x80, v4, vm0, $0xb8;
	[tilespmem:$0x10080] =	vst v63  }
0xcc: {  	_ = 	snop  }
0xcd: {  	[tilespmem:s31], [sflag:$0x1] =	stream.indirect_vreg.gather [hbm4b:s4+s2], $0x80, v4, vm0, $0xb8;
	[tilespmem:$0x10080] =	vst v63  }
0xce: {  	_ = 	snop  }
0xcf: {  	[tilespmem:s1], [sflag:$0x1] =	stream.indirect_vreg.gather [hbm4b:s5+s2], $0x80, v4, vm0, $0xb8;
	[tilespmem:$0x10080] =	vst v63  }
0xd0: {  	_ = 	snop  }
0xd1: {  	[tilespmem:s0], [sflag:$0x1] =	stream.indirect_vreg.gather [hbm4b:s6+s2], $0x80, v4, vm0, $0xb8;
	[tilespmem:$0x10080] =	vst v63  }
0xd2: {  	_ = 	snop  }
0xd3: {  	[tilespmem:s14], [sflag:$0x1] =	stream.indirect_vreg.gather [hbm4b:s7+s2], $0x80, v4, vm0, $0xb8;
	[tilespmem:$0x10080] =	vst v63  }
0xd4: {  	v3 =	vperm.xlane v3, v2  }
0xd5: {  	[tilespmem:s15], [sflag:$0x1] =	stream.indirect_vreg.gather [hbm4b:s8+s2], $0x80, v4, vm0, $0xb8;
	[tilespmem:$0x10080] =	vst v63  }
0xd6: {  	v3 =	vadd.s32 v1, v3  }
0xd7: {  	[tilespmem:s16], [sflag:$0x1] =	stream.indirect_vreg.gather [hbm4b:s9+s2], $0x80, v4, vm0, $0xb8;
	[tilespmem:$0x10080] =	vst v63  }
0xd8: {  	_ = 	snop  }
0xd9: {  	[tilespmem:s17], [sflag:$0x1] =	stream.indirect_vreg.gather [hbm4b:s10+s2], $0x80, v4, vm0, $0xb8;
	[tilespmem:$0x10080] =	vst v63  }
0xda: {  	_ = 	snop  }
0xdb: {  	[tilespmem:s18], [sflag:$0x1] =	stream.indirect_vreg.gather [hbm4b:s3+s2], $0x80, v3, vm0, $0xb8;
	[tilespmem:$0x10080] =	vst v63  }
0xdc: {  	_ = 	snop  }
0xdd: {  	[tilespmem:s19], [sflag:$0x1] =	stream.indirect_vreg.gather [hbm4b:s4+s2], $0x80, v3, vm0, $0xb8;
	[tilespmem:$0x10080] =	vst v63  }
0xde: {  	_ = 	snop  }
0xdf: {  	[tilespmem:s20], [sflag:$0x1] =	stream.indirect_vreg.gather [hbm4b:s5+s2], $0x80, v3, vm0, $0xb8;
	[tilespmem:$0x10080] =	vst v63  }
0xe0: {  	_ = 	snop  }
0xe1: {  	[tilespmem:s21], [sflag:$0x1] =	stream.indirect_vreg.gather [hbm4b:s6+s2], $0x80, v3, vm0, $0xb8;
	[tilespmem:$0x10080] =	vst v63  }
0xe2: {  	_ = 	snop  }
0xe3: {  	[tilespmem:s22], [sflag:$0x1] =	stream.indirect_vreg.gather [hbm4b:s7+s2], $0x80, v3, vm0, $0xb8;
	[tilespmem:$0x10080] =	vst v63  }
0xe4: {  	_ = 	snop  }
0xe5: {  	[tilespmem:s23], [sflag:$0x1] =	stream.indirect_vreg.gather [hbm4b:s8+s2], $0x80, v3, vm0, $0xb8;
	[tilespmem:$0x10080] =	vst v63  }
0xe6: {  	_ = 	snop  }
0xe7: {  	[tilespmem:s24], [sflag:$0x1] =	stream.indirect_vreg.gather [hbm4b:s9+s2], $0x80, v3, vm0, $0xb8;
	[tilespmem:$0x10080] =	vst v63  }
0xe8: {  	_ = 	snop  }
0xe9: {  	[tilespmem:s25], [sflag:$0x1] =	stream.indirect_vreg.gather [hbm4b:s10+s2], $0x80, v3, vm0, $0xb8;
	[tilespmem:$0x10080] =	vst v63  }
0xea: {  	_ =	swait.ge [sflag:s28], $0x8000  }
0xeb: {  	[sflag:s28] =	ssyncset.done $0x0  }
0xec: {  	s29 =	rddreg [dreg:$0x6];
	[sflag:s28] =	ssyncadd.s32 $0xFFFF8000  }
0xed: {  	[hbm4b:s29+s2] =	stream.linear.scatter [tilespmem:s30], [sflag:$0x3], $0x8000, $0x38;
	[tilespmem:$0x10080] =	vst v63  }
0xee: {  	_ =	swait.ge [sflag:s12], $0x8000  }
0xef: {  	[sflag:s12] =	ssyncset.done $0x0  }
0xf0: {  	[sflag:s12] =	ssyncadd.s32 $0xFFFF8000  }
0xf1: {  	v3 =	vld [tilespmem:$0x50];
	_ =	sdelay $0x4  }
0xf2: {  	v61 =	vshll.u32 v3, $0x4  }
0xf3: {  	v3 =	vand.u32 $0x7, v3;
	v4 =	vand.u32 $0xFFFFFF80, v61  }
0xf4: {  	v3 =	vor.u32 v3, v4  }
0xf5: {  	v4 =	vperm.xlane v3, v0;
	_ =	sdelay $0x1  }
0xf6: {  	v4 =	vadd.s32 v1, v4;
	_ =	sdelay $0x4  }
0xf7: {  	[tilespmem:s30], [sflag:$0x2] =	stream.indirect_vreg.gather [hbm4b:s3+s2], $0x80, v4, vm0, $0xb8;
	[tilespmem:$0x10080] =	vst v63  }
0xf8: {  	s29 =	simm.s32 $0x8880  }
0xf9: {  	[tilespmem:s29], [sflag:$0x2] =	stream.indirect_vreg.gather [hbm4b:s4+s2], $0x80, v4, vm0, $0xb8;
	[tilespmem:$0x10080] =	vst v63  }
0xfa: {  	s29 =	simm.s32 $0x9080  }
0xfb: {  	[tilespmem:s29], [sflag:$0x2] =	stream.indirect_vreg.gather [hbm4b:s5+s2], $0x80, v4, vm0, $0xb8;
	[tilespmem:$0x10080] =	vst v63  }
0xfc: {  	s29 =	simm.s32 $0x9880  }
0xfd: {  	[tilespmem:s29], [sflag:$0x2] =	stream.indirect_vreg.gather [hbm4b:s6+s2], $0x80, v4, vm0, $0xb8;
	[tilespmem:$0x10080] =	vst v63  }
0xfe: {  	s29 =	simm.s32 $0xA080  }
0xff: {  	[tilespmem:s29], [sflag:$0x2] =	stream.indirect_vreg.gather [hbm4b:s7+s2], $0x80, v4, vm0, $0xb8;
	[tilespmem:$0x10080] =	vst v63  }
0x100: {  	v3 =	vperm.xlane v3, v2;
	s29 =	simm.s32 $0xA880  }
0x101: {  	[tilespmem:s29], [sflag:$0x2] =	stream.indirect_vreg.gather [hbm4b:s8+s2], $0x80, v4, vm0, $0xb8;
	[tilespmem:$0x10080] =	vst v63  }
0x102: {  	v3 =	vadd.s32 v1, v3;
	s29 =	simm.s32 $0xB080  }
0x103: {  	[tilespmem:s29], [sflag:$0x2] =	stream.indirect_vreg.gather [hbm4b:s9+s2], $0x80, v4, vm0, $0xb8;
	[tilespmem:$0x10080] =	vst v63  }
0x104: {  	s29 =	simm.s32 $0xB880  }
0x105: {  	[tilespmem:s29], [sflag:$0x2] =	stream.indirect_vreg.gather [hbm4b:s10+s2], $0x80, v4, vm0, $0xb8;
	[tilespmem:$0x10080] =	vst v63  }
0x106: {  	s29 =	simm.s32 $0xC080  }
0x107: {  	[tilespmem:s29], [sflag:$0x2] =	stream.indirect_vreg.gather [hbm4b:s3+s2], $0x80, v3, vm0, $0xb8;
	[tilespmem:$0x10080] =	vst v63  }
0x108: {  	s29 =	simm.s32 $0xC880  }
0x109: {  	[tilespmem:s29], [sflag:$0x2] =	stream.indirect_vreg.gather [hbm4b:s4+s2], $0x80, v3, vm0, $0xb8;
	[tilespmem:$0x10080] =	vst v63  }
0x10a: {  	s29 =	simm.s32 $0xD080  }
0x10b: {  	[tilespmem:s29], [sflag:$0x2] =	stream.indirect_vreg.gather [hbm4b:s5+s2], $0x80, v3, vm0, $0xb8;
	[tilespmem:$0x10080] =	vst v63  }
0x10c: {  	s29 =	simm.s32 $0xD880  }
0x10d: {  	[tilespmem:s29], [sflag:$0x2] =	stream.indirect_vreg.gather [hbm4b:s6+s2], $0x80, v3, vm0, $0xb8;
	[tilespmem:$0x10080] =	vst v63  }
0x10e: {  	s29 =	simm.s32 $0xE080  }
0x10f: {  	[tilespmem:s29], [sflag:$0x2] =	stream.indirect_vreg.gather [hbm4b:s7+s2], $0x80, v3, vm0, $0xb8;
	[tilespmem:$0x10080] =	vst v63  }
0x110: {  	s29 =	simm.s32 $0xE880  }
0x111: {  	[tilespmem:s29], [sflag:$0x2] =	stream.indirect_vreg.gather [hbm4b:s8+s2], $0x80, v3, vm0, $0xb8;
	[tilespmem:$0x10080] =	vst v63  }
0x112: {  	s29 =	simm.s32 $0xF080  }
0x113: {  	[tilespmem:s29], [sflag:$0x2] =	stream.indirect_vreg.gather [hbm4b:s9+s2], $0x80, v3, vm0, $0xb8;
	[tilespmem:$0x10080] =	vst v63  }
0x114: {  	s29 =	simm.s32 $0xF880  }
0x115: {  	[tilespmem:s29], [sflag:$0x2] =	stream.indirect_vreg.gather [hbm4b:s10+s2], $0x80, v3, vm0, $0xb8;
	[tilespmem:$0x10080] =	vst v63  }
0x116: {  	_ =	swait.ge [sflag:s26], $0x8000  }
0x117: {  	[sflag:s26] =	ssyncset.done $0x0  }
0x118: {  	s29 =	rddreg [dreg:$0x7];
	[sflag:s26] =	ssyncadd.s32 $0xFFFF8000  }
0x119: {  	[hbm4b:s29+s2] =	stream.linear.scatter [tilespmem:s13], [sflag:$0x3], $0x8000, $0x38;
	[tilespmem:$0x10080] =	vst v63  }
0x11a: {  	_ =	swait.ge [sflag:s12], $0x8000  }
0x11b: {  	[sflag:s12] =	ssyncset.done $0x0  }
0x11c: {  	[sflag:s12] =	ssyncadd.s32 $0xFFFF8000  }
0x11d: {  	v3 =	vld [tilespmem:$0x60];
	_ =	sdelay $0x4  }
0x11e: {  	v62 =	vshll.u32 v3, $0x4  }
0x11f: {  	v3 =	vand.u32 $0x7, v3;
	v4 =	vand.u32 $0xFFFFFF80, v62  }
0x120: {  	v3 =	vor.u32 v3, v4  }
0x121: {  	v4 =	vperm.xlane v3, v0;
	_ =	sdelay $0x1  }
0x122: {  	v4 =	vadd.s32 v1, v4;
	_ =	sdelay $0x4  }
0x123: {  	[tilespmem:s13], [sflag:$0x1] =	stream.indirect_vreg.gather [hbm4b:s3+s2], $0x80, v4, vm0, $0xb8;
	[tilespmem:$0x10080] =	vst v63  }
0x124: {  	_ = 	snop  }
0x125: {  	[tilespmem:s31], [sflag:$0x1] =	stream.indirect_vreg.gather [hbm4b:s4+s2], $0x80, v4, vm0, $0xb8;
	[tilespmem:$0x10080] =	vst v63  }
0x126: {  	_ = 	snop  }
0x127: {  	[tilespmem:s1], [sflag:$0x1] =	stream.indirect_vreg.gather [hbm4b:s5+s2], $0x80, v4, vm0, $0xb8;
	[tilespmem:$0x10080] =	vst v63  }
0x128: {  	_ = 	snop  }
0x129: {  	[tilespmem:s0], [sflag:$0x1] =	stream.indirect_vreg.gather [hbm4b:s6+s2], $0x80, v4, vm0, $0xb8;
	[tilespmem:$0x10080] =	vst v63  }
0x12a: {  	_ = 	snop  }
0x12b: {  	[tilespmem:s14], [sflag:$0x1] =	stream.indirect_vreg.gather [hbm4b:s7+s2], $0x80, v4, vm0, $0xb8;
	[tilespmem:$0x10080] =	vst v63  }
0x12c: {  	v3 =	vperm.xlane v3, v2  }
0x12d: {  	[tilespmem:s15], [sflag:$0x1] =	stream.indirect_vreg.gather [hbm4b:s8+s2], $0x80, v4, vm0, $0xb8;
	[tilespmem:$0x10080] =	vst v63  }
0x12e: {  	v3 =	vadd.s32 v1, v3  }
0x12f: {  	[tilespmem:s16], [sflag:$0x1] =	stream.indirect_vreg.gather [hbm4b:s9+s2], $0x80, v4, vm0, $0xb8;
	[tilespmem:$0x10080] =	vst v63  }
0x130: {  	_ = 	snop  }
0x131: {  	[tilespmem:s17], [sflag:$0x1] =	stream.indirect_vreg.gather [hbm4b:s10+s2], $0x80, v4, vm0, $0xb8;
	[tilespmem:$0x10080] =	vst v63  }
0x132: {  	_ = 	snop  }
0x133: {  	[tilespmem:s18], [sflag:$0x1] =	stream.indirect_vreg.gather [hbm4b:s3+s2], $0x80, v3, vm0, $0xb8;
	[tilespmem:$0x10080] =	vst v63  }
0x134: {  	_ = 	snop  }
0x135: {  	[tilespmem:s19], [sflag:$0x1] =	stream.indirect_vreg.gather [hbm4b:s4+s2], $0x80, v3, vm0, $0xb8;
	[tilespmem:$0x10080] =	vst v63  }
0x136: {  	_ = 	snop  }
0x137: {  	[tilespmem:s20], [sflag:$0x1] =	stream.indirect_vreg.gather [hbm4b:s5+s2], $0x80, v3, vm0, $0xb8;
	[tilespmem:$0x10080] =	vst v63  }
0x138: {  	_ = 	snop  }
0x139: {  	[tilespmem:s21], [sflag:$0x1] =	stream.indirect_vreg.gather [hbm4b:s6+s2], $0x80, v3, vm0, $0xb8;
	[tilespmem:$0x10080] =	vst v63  }
0x13a: {  	_ = 	snop  }
0x13b: {  	[tilespmem:s22], [sflag:$0x1] =	stream.indirect_vreg.gather [hbm4b:s7+s2], $0x80, v3, vm0, $0xb8;
	[tilespmem:$0x10080] =	vst v63  }
0x13c: {  	_ = 	snop  }
0x13d: {  	[tilespmem:s23], [sflag:$0x1] =	stream.indirect_vreg.gather [hbm4b:s8+s2], $0x80, v3, vm0, $0xb8;
	[tilespmem:$0x10080] =	vst v63  }
0x13e: {  	_ = 	snop  }
0x13f: {  	[tilespmem:s24], [sflag:$0x1] =	stream.indirect_vreg.gather [hbm4b:s9+s2], $0x80, v3, vm0, $0xb8;
	[tilespmem:$0x10080] =	vst v63  }
0x140: {  	_ = 	snop  }
0x141: {  	[tilespmem:s25], [sflag:$0x1] =	stream.indirect_vreg.gather [hbm4b:s10+s2], $0x80, v3, vm0, $0xb8;
	[tilespmem:$0x10080] =	vst v63  }
0x142: {  	_ =	swait.ge [sflag:s28], $0x8000  }
0x143: {  	[sflag:s28] =	ssyncset.done $0x0  }
0x144: {  	s0 =	rddreg [dreg:$0x8];
	[sflag:s28] =	ssyncadd.s32 $0xFFFF8000  }
0x145: {  	[hbm4b:s0+s2] =	stream.linear.scatter [tilespmem:s30], [sflag:$0x3], $0x8000, $0x38;
	[tilespmem:$0x10080] =	vst v63  }
0x146: {  	_ =	swait.ge [sflag:s12], $0x8000  }
0x147: {  	[sflag:s12] =	ssyncset.done $0x0  }
0x148: {  	[sflag:s12] =	ssyncadd.s32 $0xFFFF8000  }
0x149: {  	v3 =	vld [tilespmem:$0x70];
	_ =	sdelay $0x4  }
0x14a: {  	v63 =	vshll.u32 v3, $0x4  }
0x14b: {  	v3 =	vand.u32 $0x7, v3;
	v4 =	vand.u32 $0xFFFFFF80, v63  }
0x14c: {  	v3 =	vor.u32 v3, v4  }
0x14d: {  	v4 =	vperm.xlane v3, v0;
	_ =	sdelay $0x1  }
0x14e: {  	v4 =	vadd.s32 v1, v4;
	_ =	sdelay $0x4  }
0x14f: {  	[tilespmem:s30], [sflag:$0x2] =	stream.indirect_vreg.gather [hbm4b:s3+s2], $0x80, v4, vm0, $0xb8;
	[tilespmem:$0x10080] =	vst v63  }
0x150: {  	s29 =	simm.s32 $0x8880  }
0x151: {  	[tilespmem:s29], [sflag:$0x2] =	stream.indirect_vreg.gather [hbm4b:s4+s2], $0x80, v4, vm0, $0xb8;
	[tilespmem:$0x10080] =	vst v63  }
0x152: {  	s29 =	simm.s32 $0x9080  }
0x153: {  	[tilespmem:s29], [sflag:$0x2] =	stream.indirect_vreg.gather [hbm4b:s5+s2], $0x80, v4, vm0, $0xb8;
	[tilespmem:$0x10080] =	vst v63  }
0x154: {  	s29 =	simm.s32 $0x9880  }
0x155: {  	[tilespmem:s29], [sflag:$0x2] =	stream.indirect_vreg.gather [hbm4b:s6+s2], $0x80, v4, vm0, $0xb8;
	[tilespmem:$0x10080] =	vst v63  }
0x156: {  	s29 =	simm.s32 $0xA080  }
0x157: {  	[tilespmem:s29], [sflag:$0x2] =	stream.indirect_vreg.gather [hbm4b:s7+s2], $0x80, v4, vm0, $0xb8;
	[tilespmem:$0x10080] =	vst v63  }
0x158: {  	v3 =	vperm.xlane v3, v2;
	s29 =	simm.s32 $0xA880  }
0x159: {  	[tilespmem:s29], [sflag:$0x2] =	stream.indirect_vreg.gather [hbm4b:s8+s2], $0x80, v4, vm0, $0xb8;
	[tilespmem:$0x10080] =	vst v63  }
0x15a: {  	v3 =	vadd.s32 v1, v3;
	s29 =	simm.s32 $0xB080  }
0x15b: {  	[tilespmem:s29], [sflag:$0x2] =	stream.indirect_vreg.gather [hbm4b:s9+s2], $0x80, v4, vm0, $0xb8;
	[tilespmem:$0x10080] =	vst v63  }
0x15c: {  	s29 =	simm.s32 $0xB880  }
0x15d: {  	[tilespmem:s29], [sflag:$0x2] =	stream.indirect_vreg.gather [hbm4b:s10+s2], $0x80, v4, vm0, $0xb8;
	[tilespmem:$0x10080] =	vst v63  }
0x15e: {  	s29 =	simm.s32 $0xC080  }
0x15f: {  	[tilespmem:s29], [sflag:$0x2] =	stream.indirect_vreg.gather [hbm4b:s3+s2], $0x80, v3, vm0, $0xb8;
	[tilespmem:$0x10080] =	vst v63  }
0x160: {  	s29 =	simm.s32 $0xC880  }
0x161: {  	[tilespmem:s29], [sflag:$0x2] =	stream.indirect_vreg.gather [hbm4b:s4+s2], $0x80, v3, vm0, $0xb8;
	[tilespmem:$0x10080] =	vst v63  }
0x162: {  	s29 =	simm.s32 $0xD080  }
0x163: {  	[tilespmem:s29], [sflag:$0x2] =	stream.indirect_vreg.gather [hbm4b:s5+s2], $0x80, v3, vm0, $0xb8;
	[tilespmem:$0x10080] =	vst v63  }
0x164: {  	s29 =	simm.s32 $0xD880  }
0x165: {  	[tilespmem:s29], [sflag:$0x2] =	stream.indirect_vreg.gather [hbm4b:s6+s2], $0x80, v3, vm0, $0xb8;
	[tilespmem:$0x10080] =	vst v63  }
0x166: {  	s29 =	simm.s32 $0xE080  }
0x167: {  	[tilespmem:s29], [sflag:$0x2] =	stream.indirect_vreg.gather [hbm4b:s7+s2], $0x80, v3, vm0, $0xb8;
	[tilespmem:$0x10080] =	vst v63  }
0x168: {  	s29 =	simm.s32 $0xE880  }
0x169: {  	[tilespmem:s29], [sflag:$0x2] =	stream.indirect_vreg.gather [hbm4b:s8+s2], $0x80, v3, vm0, $0xb8;
	[tilespmem:$0x10080] =	vst v63  }
0x16a: {  	s29 =	simm.s32 $0xF080  }
0x16b: {  	[tilespmem:s29], [sflag:$0x2] =	stream.indirect_vreg.gather [hbm4b:s9+s2], $0x80, v3, vm0, $0xb8;
	[tilespmem:$0x10080] =	vst v63  }
0x16c: {  	s29 =	simm.s32 $0xF880  }
0x16d: {  	[tilespmem:s29], [sflag:$0x2] =	stream.indirect_vreg.gather [hbm4b:s10+s2], $0x80, v3, vm0, $0xb8;
	[tilespmem:$0x10080] =	vst v63  }
0x16e: {  	_ =	swait.ge [sflag:s26], $0x8000  }
0x16f: {  	[sflag:s26] =	ssyncset.done $0x0  }
0x170: {  	s0 =	rddreg [dreg:$0x9];
	[sflag:s26] =	ssyncadd.s32 $0xFFFF8000  }
0x171: {  	[hbm4b:s0+s2] =	stream.linear.scatter [tilespmem:s13], [sflag:$0x3], $0x8000, $0x38;
	[tilespmem:$0x10080] =	vst v63  }
0x172: {  	_ =	swait.ge [sflag:s12], $0x8000  }
0x173: {  	[sflag:s12] =	ssyncset.done $0x0  }
0x174: {  	[sflag:s12] =	ssyncadd.s32 $0xFFFF8000  }
0x175: {  	_ =	swait.ge [sflag:s28], $0x8000  }
0x176: {  	p0 =	sne.s32 s11, $0x1;
	[sflag:s28] =	ssyncset.done $0x0  }
.Ltmp0:
0x177: {  	s0 =	rddreg [dreg:$0xa];
	[sflag:s28] =	ssyncadd.s32 $0xFFFF8000;
	(pc) =	sbr.rel @p0 .LBB2_1-.Ltmp0, $4  }
0x178: {  	[hbm4b:s0+s2] =	stream.linear.scatter [tilespmem:s30], [sflag:$0x3], $0x8000, $0x38;
	[tilespmem:$0x10080] =	vst v63  }
0x179: {  	_ =	swait.ge [sflag:s12], $0x8000  }
0x17a: {  	[sflag:s12] =	ssyncset.done $0x0  }
0x17b: {  	s11 =	sadd.s32 $0xFFFFFFFF, s11;
	[sflag:s12] =	ssyncadd.s32 $0xFFFF8000  }
0x17c: {  	_ =	sfence.sel $0x180000  }
0x17d: {  	[bflag:$0x0] =	sbarrier.arrive $0xFFFF  }
0x17e: {  	_ =	strace $0x90000047  }
0x17f: {  	s0 =	stileid.u32;
	[bflag:$0x2] =	sbarrier.arrive $0xFFFF  }
0x180: {  	p0 =	sne.s32 s0, $0x0;
	s0 =	rddreg [dreg:$0x1]  }
0x181: {  	s0 =	sadd.s32 @!p0 $0x100000, s0  }
0x182: {  	[sflag:s0] =	ssyncadd.tile.s32 @!p0 $0x1;
	_ =	shalt  }
.Lfunc_end2:
_tile_overlayer_lowered:
.L_overlay_start_2:
0x183: {  	(tag) =	ssettag $0x2  }
0x184: {  	s0 =	rddreg [dreg:$0x0];
	s2 =	stileid.u32  }
0x185: {  	s1 =	rddreg [dreg:$0x1];
	p0 =	sne.s32 s2, $0x0  }
0x186: {  	s3 =	rddreg [dreg:$0x2];
	[bflag:$0x3] =	sbarrier.arrive $0xFFFF;
	s2 =	simm.s32 @!p0 $0x1C03  }
0x187: {  	[timem:s3], [sflag:s2] =	dma.local @!p0 [hbm:s0], s1  }
0x188: {  	s0 =	simm.s32 @!p0 $0x3  }
0x189: {  	_ =	swait.ge @!p0 [sflag:s0], s1  }
0x18a: {  	s1 =	ssub.s32 @!p0 $0x0, s1;
	[sflag:s0] =	ssyncset.done @!p0 $0x0  }
0x18b: {  	[sflag:s0] =	ssyncadd.s32 @!p0 s1  }
0x18c: {  	[bflag:$0x3] =	sbarrier.arrive $0xFFFF  }
0x18d: {  	_ =	shalt  }

</sc_bundles>
